<compile_context>
chip_gen: v7x
topology: tpu7x:2x2x1
jax: 0.10.2.dev20260603
libtpu: 0.0.44.dev20260713+nightly
codegen_flags: <defaults>
</compile_context>

<pallas_src>
import jax
import jax.numpy as jnp
import numpy as np
from jax import lax
from jax.experimental import pallas as pl
from jax.experimental.pallas import tpu as pltpu
from jax.experimental.pallas import tpu_sc as plsc

VOCAB = 1000000
D_MODEL = 128
BATCH = 1024
SEQ = 200
MAX_POS = 512
BASE = 10000.0

NUM_WORKERS = 32
ROWS_PER_WORKER = BATCH // NUM_WORKERS
HALF = D_MODEL // 2
GATHER_CHUNK = SEQ // 2
NBUF = 3


def _rope_half_cache():
    inv_freq = 1.0 / (BASE ** (np.arange(0, D_MODEL, 2, dtype=np.float32) / D_MODEL))
    t = np.arange(MAX_POS, dtype=np.float32)
    freqs = np.einsum('i,j->ij', t, inv_freq)[:SEQ]
    cs = np.concatenate([np.cos(freqs), np.sin(freqs)], axis=0)
    return jnp.asarray(cs, dtype=jnp.float32)


def _sc_body(table_hbm, ids_hbm, cs_hbm, out_hbm,
             idx_v, rows_v, cs_v, gsem, osem, isem):
    wid = lax.axis_index("s") * 2 + lax.axis_index("c")
    base = wid * ROWS_PER_WORKER

    pltpu.sync_copy(ids_hbm.at[pl.ds(base, NBUF)], idx_v)

    def start_gather(j, b):
        for k in range(SEQ // GATHER_CHUNK):
            pltpu.async_copy(
                table_hbm.at[idx_v.at[b, k]],
                rows_v.at[b, pl.ds(k * GATHER_CHUNK, GATHER_CHUNK)],
                gsem.at[b],
            )

    def wait_gather(j, b):
        for k in range(SEQ // GATHER_CHUNK):
            pltpu.make_async_copy(
                table_hbm.at[idx_v.at[b, k]],
                rows_v.at[b, pl.ds(k * GATHER_CHUNK, GATHER_CHUNK)],
                gsem.at[b],
            ).wait()

    def wait_out(b):
        pltpu.make_async_copy(rows_v.at[b], out_hbm.at[0], osem.at[b]).wait()

    def wait_idx(b):
        pltpu.make_async_copy(
            ids_hbm.at[0], idx_v.at[b], isem.at[b]).wait()

    start_gather(0, 0)
    start_gather(1, 1)
    pltpu.sync_copy(cs_hbm, cs_v)

    def per_row(j, carry):
        b = j % NBUF
        wait_gather(j, b)

        @pl.when(j < ROWS_PER_WORKER - NBUF)
        def _():
            pltpu.async_copy(ids_hbm.at[base + j + NBUF], idx_v.at[b],
                             isem.at[b])

        @plsc.parallel_loop(0, SEQ, unroll=4)
        def _(t):
            for g in range(HALF // 16):
                h1 = rows_v[b, t, pl.ds(g * 16, 16)]
                h2 = rows_v[b, t, pl.ds(HALF + g * 16, 16)]
                cv = cs_v[t, pl.ds(g * 16, 16)]
                sv = cs_v[SEQ + t, pl.ds(g * 16, 16)]
                rows_v[b, t, pl.ds(g * 16, 16)] = h1 * cv - h2 * sv
                rows_v[b, t, pl.ds(HALF + g * 16, 16)] = h2 * cv + h1 * sv

        pltpu.async_copy(rows_v.at[b], out_hbm.at[base + j], osem.at[b])

        @pl.when(j < ROWS_PER_WORKER - 2)
        def _():
            b2 = (j + 2) % NBUF

            @pl.when(j >= 1)
            def _():
                wait_out(b2)
                wait_idx(b2)

            start_gather(j + 2, b2)

        return carry

    lax.fori_loop(0, ROWS_PER_WORKER, per_row, 0)
    for b in range(NBUF):
        wait_out(b)


def kernel(input_ids, embed_table):
    cs_h = _rope_half_cache()
    ids = input_ids.reshape(BATCH, SEQ // GATHER_CHUNK, GATHER_CHUNK)

    mesh = plsc.VectorSubcoreMesh(core_axis_name="c", subcore_axis_name="s")
    run = pl.kernel(
        _sc_body,
        out_type=jax.ShapeDtypeStruct((BATCH, SEQ, D_MODEL), jnp.float32),
        mesh=mesh,
        scratch_types=[
            pltpu.VMEM((NBUF, SEQ // GATHER_CHUNK, GATHER_CHUNK), jnp.int32),
            pltpu.VMEM((NBUF, SEQ, D_MODEL), jnp.float32),
            pltpu.VMEM((2 * SEQ, HALF), jnp.float32),
            pltpu.SemaphoreType.DMA((NBUF,)),
            pltpu.SemaphoreType.DMA((NBUF,)),
            pltpu.SemaphoreType.DMA((NBUF,)),
        ],
    )
    return run(embed_table, ids, cs_h)

# --- scband reference (transcript-rebuilt; emitter-appended) ---
"""Pipeline reference for scband-t5-embedding-with-ro-pe-58712202936446 (READ-ONLY COPY).

The authoritative reference and input builder live on the scoring server;
editing this copy changes nothing except your own understanding.
"""

import jax, jax.numpy as jnp
import numpy as np

VOCAB = 1000000
D_MODEL = 128
BATCH = 1024
SEQ = 200
MAX_POS = 512
BASE = 10000.0


def _rope_cache(seq_len, dim):
    inv_freq = 1.0 / (BASE ** (np.arange(0, dim, 2, dtype=np.float32) / dim))
    t = np.arange(MAX_POS, dtype=np.float32)
    freqs = np.einsum('i,j->ij', t, inv_freq)
    emb = np.concatenate([freqs, freqs], axis=-1)
    cos = np.cos(emb)[:seq_len]
    sin = np.sin(emb)[:seq_len]
    return jnp.asarray(cos, dtype=jnp.float32), jnp.asarray(sin, dtype=jnp.float32)


def rotate_half(x):
    half = x.shape[-1] // 2
    x1 = x[..., :half]
    x2 = x[..., half:]
    return jnp.concatenate([-x2, x1], axis=-1)


def setup_inputs(seed: int = 0) -> dict:
    key = jax.random.key(seed)
    k1, k2 = jax.random.split(key)
    input_ids = jax.random.randint(k1, (BATCH, SEQ), 0, VOCAB, dtype=jnp.int32)
    embed_table = jax.random.normal(k2, (VOCAB, D_MODEL), dtype=jnp.float32) * 0.02
    return {"input_ids": input_ids, "embed_table": embed_table}


def reference(input_ids, embed_table):
    # embedding lookup (gather)
    hidden = jnp.take(embed_table, input_ids, axis=0)  # [B, S, D]
    seq_len = hidden.shape[1]
    dim = hidden.shape[2]
    cos, sin = _rope_cache(seq_len, dim)  # [S, D] each
    # position_ids = arange(seq_len); cos[position_ids] -> [S, D]; broadcast over batch
    cos = cos[None, :, :]
    sin = sin[None, :, :]
    out = hidden * cos + rotate_half(hidden) * sin
    return out

if __name__ == "__main__":
    import jax
    _d = setup_inputs()
    print(jax.jit(kernel)(*tuple(_d.values())))

</pallas_src>

<mosaic_0001>
#map = affine_map<(d0, d1) -> (0, 0)>
#map1 = affine_map<(d0, d1) -> (0, 0, 0)>
module attributes {stable_mosaic.version = 14 : i64} {
  func.func @_sc_body(%arg0: i32, %arg1: i32, %arg2: memref<1000000x128xf32, #tpu.memory_space<hbm>>, %arg3: memref<1024x2x100xi32, #tpu.memory_space<hbm>>, %arg4: memref<400x64xf32, #tpu.memory_space<hbm>>, %arg5: memref<1024x200x128xf32, #tpu.memory_space<hbm>>, %arg6: memref<3x2x100xi32, #tpu.memory_space<vmem>>, %arg7: memref<3x200x128xf32, #tpu.memory_space<vmem>>, %arg8: memref<400x64xf32, #tpu.memory_space<vmem>>, %arg9: memref<3x!tpu.dma_semaphore, #tpu.memory_space<semaphore_mem>>, %arg10: memref<3x!tpu.dma_semaphore, #tpu.memory_space<semaphore_mem>>, %arg11: memref<3x!tpu.dma_semaphore, #tpu.memory_space<semaphore_mem>>) attributes {dimension_semantics = [#tpu.dimension_semantics<core_parallel>, #tpu.dimension_semantics<subcore_parallel>], iteration_bounds = array<i64: 2, 16>, scalar_prefetch = 0 : i64, scratch_operands = 6 : i64, tpu.core_type = #tpu.core_type<sc_vector_subcore>, window_params = [{transform_indices = #map}, {transform_indices = #map1}, {transform_indices = #map}, {transform_indices = #map1}]} {
    %mul3A = arith.constant 2 : i32
    %mul3A_0 = arith.muli %arg1, %mul3A : i32
    %add3A = arith.addi %mul3A_0, %arg0 : i32
    %mul3A_1 = arith.constant 32 : i32
    %mul3A_2 = arith.muli %add3A, %mul3A_1 : i32
    "tpu.region"() ({
      %run_scoped3A = tpu.sem_alloc : memref<!tpu.dma_semaphore, #tpu.memory_space<semaphore_mem>>
      %dma_start3A_133 = arith.constant 0 : i32
      %dma_start3A_134 = arith.constant 0 : i32
      %dma_start3A_135 = tpu.memref_slice %arg3[%mul3A_2, %dma_start3A_133, %dma_start3A_134] : memref<1024x2x100xi32, #tpu.memory_space<hbm>> -> memref<3x2x100xi32, #tpu.memory_space<hbm>>
      %dma_start3A_136 = arith.constant 0 : i32
      %dma_start3A_137 = arith.constant 0 : i32
      %dma_start3A_138 = tpu.memref_slice %arg3[%mul3A_2, %dma_start3A_136, %dma_start3A_137] : memref<1024x2x100xi32, #tpu.memory_space<hbm>> -> memref<3x2x100xi32, #tpu.memory_space<hbm>>
      tpu.enqueue_dma source(%dma_start3A_138 : memref<3x2x100xi32, #tpu.memory_space<hbm>>) target(%arg6 : memref<3x2x100xi32, #tpu.memory_space<vmem>>) target_semaphore(%run_scoped3A : memref<!tpu.dma_semaphore, #tpu.memory_space<semaphore_mem>>)
      %dma_wait3A_139 = arith.constant 0 : i32
      %dma_wait3A_140 = arith.constant 0 : i32
      %dma_wait3A_141 = tpu.memref_slice %arg3[%mul3A_2, %dma_wait3A_139, %dma_wait3A_140] : memref<1024x2x100xi32, #tpu.memory_space<hbm>> -> memref<3x2x100xi32, #tpu.memory_space<hbm>>
      %dma_wait3A_142 = arith.constant 0 : i32
      %dma_wait3A_143 = arith.constant 0 : i32
      %dma_wait3A_144 = tpu.memref_slice %arg3[%mul3A_2, %dma_wait3A_142, %dma_wait3A_143] : memref<1024x2x100xi32, #tpu.memory_space<hbm>> -> memref<3x2x100xi32, #tpu.memory_space<hbm>>
      tpu.wait_dma2 semaphore(%run_scoped3A : memref<!tpu.dma_semaphore, #tpu.memory_space<semaphore_mem>>) src(%dma_wait3A_144 : memref<3x2x100xi32, #tpu.memory_space<hbm>>) dst(%arg6 : memref<3x2x100xi32, #tpu.memory_space<vmem>>)
      tpu.yield
    }) : () -> ()
    %dma_start3A = arith.constant 0 : i32
    %dma_start3A_3 = arith.constant 0 : i32
    %dma_start3A_4 = arith.constant 0 : i32
    %dma_start3A_5 = arith.constant 0 : i32
    %dma_start3A_6 = arith.constant 0 : i32
    %dma_start3A_7 = arith.constant 0 : i32
    %dma_start3A_8 = tpu.memref_slice %arg7[%dma_start3A_4, %dma_start3A_6, %dma_start3A_7] : memref<3x200x128xf32, #tpu.memory_space<vmem>> -> memref<1x100x128xf32, #tpu.memory_space<vmem>>
    %dma_start3A_9 = tpu.memref_squeeze %dma_start3A_8 : memref<1x100x128xf32, #tpu.memory_space<vmem>> -> memref<100x128xf32, #tpu.memory_space<vmem>>
    %dma_start3A_10 = arith.constant 0 : i32
    %dma_start3A_11 = tpu.memref_slice %arg6[%dma_start3A, %dma_start3A_3, %dma_start3A_10] : memref<3x2x100xi32, #tpu.memory_space<vmem>> -> memref<1x1x100xi32, #tpu.memory_space<vmem>>
    %dma_start3A_12 = tpu.memref_squeeze %dma_start3A_11 : memref<1x1x100xi32, #tpu.memory_space<vmem>> -> memref<100xi32, #tpu.memory_space<vmem>>
    %dma_start3A_13 = arith.constant 0 : i32
    %dma_start3A_14 = arith.constant 0 : i32
    %dma_start3A_15 = tpu.memref_slice %arg2[%dma_start3A_13, %dma_start3A_14] : memref<1000000x128xf32, #tpu.memory_space<hbm>> -> memref<1000000x128xf32, #tpu.memory_space<hbm>>
    %dma_start3A_16 = tpu.memref_slice %arg9[%dma_start3A_5] : memref<3x!tpu.dma_semaphore, #tpu.memory_space<semaphore_mem>> -> memref<1x!tpu.dma_semaphore, #tpu.memory_space<semaphore_mem>>
    %dma_start3A_17 = tpu.memref_squeeze %dma_start3A_16 : memref<1x!tpu.dma_semaphore, #tpu.memory_space<semaphore_mem>> -> memref<!tpu.dma_semaphore, #tpu.memory_space<semaphore_mem>>
    tpu.enqueue_indirect_dma source(%dma_start3A_15 : memref<1000000x128xf32, #tpu.memory_space<hbm>>) target(%dma_start3A_9 : memref<100x128xf32, #tpu.memory_space<vmem>>) offsets(%dma_start3A_12 : memref<100xi32, #tpu.memory_space<vmem>>) semaphore(%dma_start3A_17 : memref<!tpu.dma_semaphore, #tpu.memory_space<semaphore_mem>>)
    %dma_start3A_18 = arith.constant 0 : i32
    %dma_start3A_19 = arith.constant 1 : i32
    %dma_start3A_20 = arith.constant 0 : i32
    %dma_start3A_21 = arith.constant 0 : i32
    %dma_start3A_22 = arith.constant 100 : i32
    %dma_start3A_23 = arith.constant 0 : i32
    %dma_start3A_24 = tpu.memref_slice %arg7[%dma_start3A_20, %dma_start3A_22, %dma_start3A_23] : memref<3x200x128xf32, #tpu.memory_space<vmem>> -> memref<1x100x128xf32, #tpu.memory_space<vmem>>
    %dma_start3A_25 = tpu.memref_squeeze %dma_start3A_24 : memref<1x100x128xf32, #tpu.memory_space<vmem>> -> memref<100x128xf32, #tpu.memory_space<vmem>>
    %dma_start3A_26 = arith.constant 0 : i32
    %dma_start3A_27 = tpu.memref_slice %arg6[%dma_start3A_18, %dma_start3A_19, %dma_start3A_26] : memref<3x2x100xi32, #tpu.memory_space<vmem>> -> memref<1x1x100xi32, #tpu.memory_space<vmem>>
    %dma_start3A_28 = tpu.memref_squeeze %dma_start3A_27 : memref<1x1x100xi32, #tpu.memory_space<vmem>> -> memref<100xi32, #tpu.memory_space<vmem>>
    %dma_start3A_29 = arith.constant 0 : i32
    %dma_start3A_30 = arith.constant 0 : i32
    %dma_start3A_31 = tpu.memref_slice %arg2[%dma_start3A_29, %dma_start3A_30] : memref<1000000x128xf32, #tpu.memory_space<hbm>> -> memref<1000000x128xf32, #tpu.memory_space<hbm>>
    %dma_start3A_32 = tpu.memref_slice %arg9[%dma_start3A_21] : memref<3x!tpu.dma_semaphore, #tpu.memory_space<semaphore_mem>> -> memref<1x!tpu.dma_semaphore, #tpu.memory_space<semaphore_mem>>
    %dma_start3A_33 = tpu.memref_squeeze %dma_start3A_32 : memref<1x!tpu.dma_semaphore, #tpu.memory_space<semaphore_mem>> -> memref<!tpu.dma_semaphore, #tpu.memory_space<semaphore_mem>>
    tpu.enqueue_indirect_dma source(%dma_start3A_31 : memref<1000000x128xf32, #tpu.memory_space<hbm>>) target(%dma_start3A_25 : memref<100x128xf32, #tpu.memory_space<vmem>>) offsets(%dma_start3A_28 : memref<100xi32, #tpu.memory_space<vmem>>) semaphore(%dma_start3A_33 : memref<!tpu.dma_semaphore, #tpu.memory_space<semaphore_mem>>)
    %dma_start3A_34 = arith.constant 1 : i32
    %dma_start3A_35 = arith.constant 0 : i32
    %dma_start3A_36 = arith.constant 1 : i32
    %dma_start3A_37 = arith.constant 1 : i32
    %dma_start3A_38 = arith.constant 0 : i32
    %dma_start3A_39 = arith.constant 0 : i32
    %dma_start3A_40 = tpu.memref_slice %arg7[%dma_start3A_36, %dma_start3A_38, %dma_start3A_39] : memref<3x200x128xf32, #tpu.memory_space<vmem>> -> memref<1x100x128xf32, #tpu.memory_space<vmem>>
    %dma_start3A_41 = tpu.memref_squeeze %dma_start3A_40 : memref<1x100x128xf32, #tpu.memory_space<vmem>> -> memref<100x128xf32, #tpu.memory_space<vmem>>
    %dma_start3A_42 = arith.constant 0 : i32
    %dma_start3A_43 = tpu.memref_slice %arg6[%dma_start3A_34, %dma_start3A_35, %dma_start3A_42] : memref<3x2x100xi32, #tpu.memory_space<vmem>> -> memref<1x1x100xi32, #tpu.memory_space<vmem>>
    %dma_start3A_44 = tpu.memref_squeeze %dma_start3A_43 : memref<1x1x100xi32, #tpu.memory_space<vmem>> -> memref<100xi32, #tpu.memory_space<vmem>>
    %dma_start3A_45 = arith.constant 0 : i32
    %dma_start3A_46 = arith.constant 0 : i32
    %dma_start3A_47 = tpu.memref_slice %arg2[%dma_start3A_45, %dma_start3A_46] : memref<1000000x128xf32, #tpu.memory_space<hbm>> -> memref<1000000x128xf32, #tpu.memory_space<hbm>>
    %dma_start3A_48 = tpu.memref_slice %arg9[%dma_start3A_37] : memref<3x!tpu.dma_semaphore, #tpu.memory_space<semaphore_mem>> -> memref<1x!tpu.dma_semaphore, #tpu.memory_space<semaphore_mem>>
    %dma_start3A_49 = tpu.memref_squeeze %dma_start3A_48 : memref<1x!tpu.dma_semaphore, #tpu.memory_space<semaphore_mem>> -> memref<!tpu.dma_semaphore, #tpu.memory_space<semaphore_mem>>
    tpu.enqueue_indirect_dma source(%dma_start3A_47 : memref<1000000x128xf32, #tpu.memory_space<hbm>>) target(%dma_start3A_41 : memref<100x128xf32, #tpu.memory_space<vmem>>) offsets(%dma_start3A_44 : memref<100xi32, #tpu.memory_space<vmem>>) semaphore(%dma_start3A_49 : memref<!tpu.dma_semaphore, #tpu.memory_space<semaphore_mem>>)
    %dma_start3A_50 = arith.constant 1 : i32
    %dma_start3A_51 = arith.constant 1 : i32
    %dma_start3A_52 = arith.constant 1 : i32
    %dma_start3A_53 = arith.constant 1 : i32
    %dma_start3A_54 = arith.constant 100 : i32
    %dma_start3A_55 = arith.constant 0 : i32
    %dma_start3A_56 = tpu.memref_slice %arg7[%dma_start3A_52, %dma_start3A_54, %dma_start3A_55] : memref<3x200x128xf32, #tpu.memory_space<vmem>> -> memref<1x100x128xf32, #tpu.memory_space<vmem>>
    %dma_start3A_57 = tpu.memref_squeeze %dma_start3A_56 : memref<1x100x128xf32, #tpu.memory_space<vmem>> -> memref<100x128xf32, #tpu.memory_space<vmem>>
    %dma_start3A_58 = arith.constant 0 : i32
    %dma_start3A_59 = tpu.memref_slice %arg6[%dma_start3A_50, %dma_start3A_51, %dma_start3A_58] : memref<3x2x100xi32, #tpu.memory_space<vmem>> -> memref<1x1x100xi32, #tpu.memory_space<vmem>>
    %dma_start3A_60 = tpu.memref_squeeze %dma_start3A_59 : memref<1x1x100xi32, #tpu.memory_space<vmem>> -> memref<100xi32, #tpu.memory_space<vmem>>
    %dma_start3A_61 = arith.constant 0 : i32
    %dma_start3A_62 = arith.constant 0 : i32
    %dma_start3A_63 = tpu.memref_slice %arg2[%dma_start3A_61, %dma_start3A_62] : memref<1000000x128xf32, #tpu.memory_space<hbm>> -> memref<1000000x128xf32, #tpu.memory_space<hbm>>
    %dma_start3A_64 = tpu.memref_slice %arg9[%dma_start3A_53] : memref<3x!tpu.dma_semaphore, #tpu.memory_space<semaphore_mem>> -> memref<1x!tpu.dma_semaphore, #tpu.memory_space<semaphore_mem>>
    %dma_start3A_65 = tpu.memref_squeeze %dma_start3A_64 : memref<1x!tpu.dma_semaphore, #tpu.memory_space<semaphore_mem>> -> memref<!tpu.dma_semaphore, #tpu.memory_space<semaphore_mem>>
    tpu.enqueue_indirect_dma source(%dma_start3A_63 : memref<1000000x128xf32, #tpu.memory_space<hbm>>) target(%dma_start3A_57 : memref<100x128xf32, #tpu.memory_space<vmem>>) offsets(%dma_start3A_60 : memref<100xi32, #tpu.memory_space<vmem>>) semaphore(%dma_start3A_65 : memref<!tpu.dma_semaphore, #tpu.memory_space<semaphore_mem>>)
    "tpu.region"() ({
      %run_scoped3A = tpu.sem_alloc : memref<!tpu.dma_semaphore, #tpu.memory_space<semaphore_mem>>
      tpu.enqueue_dma source(%arg4 : memref<400x64xf32, #tpu.memory_space<hbm>>) target(%arg8 : memref<400x64xf32, #tpu.memory_space<vmem>>) target_semaphore(%run_scoped3A : memref<!tpu.dma_semaphore, #tpu.memory_space<semaphore_mem>>)
      tpu.wait_dma2 semaphore(%run_scoped3A : memref<!tpu.dma_semaphore, #tpu.memory_space<semaphore_mem>>) src(%arg4 : memref<400x64xf32, #tpu.memory_space<hbm>>) dst(%arg8 : memref<400x64xf32, #tpu.memory_space<vmem>>)
      tpu.yield
    }) : () -> ()
    %scan3A = arith.constant 0 : i32
    %scan3A_66 = arith.constant 0 : i32
    %scan3A_67 = arith.constant 32 : i32
    %scan3A_68 = arith.addi %scan3A_66, %scan3A_67 : i32
    %scan3A_69 = arith.constant 1 : i32
    scf.for %scan3A_133 = %scan3A_66 to %scan3A_68 step %scan3A_69  : i32 {
      %jit3A = arith.constant 3 : i32
      %eq3A = arith.constant 0 : i32
      %eq3A_134 = arith.cmpi eq, %jit3A, %eq3A : i32
      %jit3A_135 = arith.constant 1 : i32
      %select_n3A = arith.select %eq3A_134, %jit3A_135, %jit3A : i32
      %rem3A = arith.remsi %scan3A_133, %select_n3A : i32
      %ne3A = arith.constant 0 : i32
      %ne3A_136 = arith.cmpi ne, %rem3A, %ne3A : i32
      %lt3A = arith.constant 0 : i32
      %lt3A_137 = arith.cmpi slt, %rem3A, %lt3A : i32
      %lt3A_138 = arith.constant 0 : i32
      %lt3A_139 = arith.cmpi slt, %select_n3A, %lt3A_138 : i32
      %ne3A_140 = arith.xori %lt3A_137, %lt3A_139 : i1
      %and3A = arith.andi %ne3A_140, %ne3A_136 : i1
      %add3A_141 = arith.addi %rem3A, %select_n3A : i32
      %select_n3A_142 = arith.select %and3A, %add3A_141, %rem3A : i32
      %dma_wait3A_143 = arith.constant 0 : i32
      %dma_wait3A_144 = arith.constant 0 : i32
      %dma_wait3A_145 = arith.constant 0 : i32
      %dma_wait3A_146 = tpu.memref_slice %arg7[%select_n3A_142, %dma_wait3A_144, %dma_wait3A_145] : memref<3x200x128xf32, #tpu.memory_space<vmem>> -> memref<1x100x128xf32, #tpu.memory_space<vmem>>
      %dma_wait3A_147 = tpu.memref_squeeze %dma_wait3A_146 : memref<1x100x128xf32, #tpu.memory_space<vmem>> -> memref<100x128xf32, #tpu.memory_space<vmem>>
      %dma_wait3A_148 = arith.constant 0 : i32
      %dma_wait3A_149 = tpu.memref_slice %arg6[%select_n3A_142, %dma_wait3A_143, %dma_wait3A_148] : memref<3x2x100xi32, #tpu.memory_space<vmem>> -> memref<1x1x100xi32, #tpu.memory_space<vmem>>
      %dma_wait3A_150 = tpu.memref_squeeze %dma_wait3A_149 : memref<1x1x100xi32, #tpu.memory_space<vmem>> -> memref<100xi32, #tpu.memory_space<vmem>>
      %dma_wait3A_151 = arith.constant 0 : i32
      %dma_wait3A_152 = arith.constant 0 : i32
      %dma_wait3A_153 = tpu.memref_slice %arg2[%dma_wait3A_151, %dma_wait3A_152] : memref<1000000x128xf32, #tpu.memory_space<hbm>> -> memref<1000000x128xf32, #tpu.memory_space<hbm>>
      %dma_wait3A_154 = tpu.memref_slice %arg9[%select_n3A_142] : memref<3x!tpu.dma_semaphore, #tpu.memory_space<semaphore_mem>> -> memref<1x!tpu.dma_semaphore, #tpu.memory_space<semaphore_mem>>
      %dma_wait3A_155 = tpu.memref_squeeze %dma_wait3A_154 : memref<1x!tpu.dma_semaphore, #tpu.memory_space<semaphore_mem>> -> memref<!tpu.dma_semaphore, #tpu.memory_space<semaphore_mem>>
      tpu.wait_indirect_dma semaphore(%dma_wait3A_155 : memref<!tpu.dma_semaphore, #tpu.memory_space<semaphore_mem>>) src(%dma_wait3A_153 : memref<1000000x128xf32, #tpu.memory_space<hbm>>) dst(%dma_wait3A_147 : memref<100x128xf32, #tpu.memory_space<vmem>>)
      %dma_wait3A_156 = arith.constant 1 : i32
      %dma_wait3A_157 = arith.constant 100 : i32
      %dma_wait3A_158 = arith.constant 0 : i32
      %dma_wait3A_159 = tpu.memref_slice %arg7[%select_n3A_142, %dma_wait3A_157, %dma_wait3A_158] : memref<3x200x128xf32, #tpu.memory_space<vmem>> -> memref<1x100x128xf32, #tpu.memory_space<vmem>>
      %dma_wait3A_160 = tpu.memref_squeeze %dma_wait3A_159 : memref<1x100x128xf32, #tpu.memory_space<vmem>> -> memref<100x128xf32, #tpu.memory_space<vmem>>
      %dma_wait3A_161 = arith.constant 0 : i32
      %dma_wait3A_162 = tpu.memref_slice %arg6[%select_n3A_142, %dma_wait3A_156, %dma_wait3A_161] : memref<3x2x100xi32, #tpu.memory_space<vmem>> -> memref<1x1x100xi32, #tpu.memory_space<vmem>>
      %dma_wait3A_163 = tpu.memref_squeeze %dma_wait3A_162 : memref<1x1x100xi32, #tpu.memory_space<vmem>> -> memref<100xi32, #tpu.memory_space<vmem>>
      %dma_wait3A_164 = arith.constant 0 : i32
      %dma_wait3A_165 = arith.constant 0 : i32
      %dma_wait3A_166 = tpu.memref_slice %arg2[%dma_wait3A_164, %dma_wait3A_165] : memref<1000000x128xf32, #tpu.memory_space<hbm>> -> memref<1000000x128xf32, #tpu.memory_space<hbm>>
      %dma_wait3A_167 = tpu.memref_slice %arg9[%select_n3A_142] : memref<3x!tpu.dma_semaphore, #tpu.memory_space<semaphore_mem>> -> memref<1x!tpu.dma_semaphore, #tpu.memory_space<semaphore_mem>>
      %dma_wait3A_168 = tpu.memref_squeeze %dma_wait3A_167 : memref<1x!tpu.dma_semaphore, #tpu.memory_space<semaphore_mem>> -> memref<!tpu.dma_semaphore, #tpu.memory_space<semaphore_mem>>
      tpu.wait_indirect_dma semaphore(%dma_wait3A_168 : memref<!tpu.dma_semaphore, #tpu.memory_space<semaphore_mem>>) src(%dma_wait3A_166 : memref<1000000x128xf32, #tpu.memory_space<hbm>>) dst(%dma_wait3A_160 : memref<100x128xf32, #tpu.memory_space<vmem>>)
      %lt3A_169 = arith.constant 29 : i32
      %lt3A_170 = arith.cmpi slt, %scan3A_133, %lt3A_169 : i32
      %convert_element_type3A = arith.extui %lt3A_170 : i1 to i32
      %cond3A = arith.constant 0 : i32
      %cond3A_171 = arith.cmpi ne, %convert_element_type3A, %cond3A : i32
      scf.if %cond3A_171 {
        %add3A_198 = arith.addi %mul3A_2, %scan3A_133 : i32
        %add3A_199 = arith.constant 3 : i32
        %add3A_200 = arith.addi %add3A_198, %add3A_199 : i32
        %dma_start3A_201 = arith.constant 0 : i32
        %dma_start3A_202 = arith.constant 0 : i32
        %dma_start3A_203 = tpu.memref_slice %arg6[%select_n3A_142, %dma_start3A_201, %dma_start3A_202] : memref<3x2x100xi32, #tpu.memory_space<vmem>> -> memref<1x2x100xi32, #tpu.memory_space<vmem>>
        %dma_start3A_204 = tpu.memref_squeeze %dma_start3A_203 : memref<1x2x100xi32, #tpu.memory_space<vmem>> -> memref<2x100xi32, #tpu.memory_space<vmem>>
        %dma_start3A_205 = arith.constant 0 : i32
        %dma_start3A_206 = arith.constant 0 : i32
        %dma_start3A_207 = tpu.memref_slice %arg3[%add3A_200, %dma_start3A_205, %dma_start3A_206] : memref<1024x2x100xi32, #tpu.memory_space<hbm>> -> memref<1x2x100xi32, #tpu.memory_space<hbm>>
        %dma_start3A_208 = tpu.memref_squeeze %dma_start3A_207 : memref<1x2x100xi32, #tpu.memory_space<hbm>> -> memref<2x100xi32, #tpu.memory_space<hbm>>
        %dma_start3A_209 = tpu.memref_slice %arg11[%select_n3A_142] : memref<3x!tpu.dma_semaphore, #tpu.memory_space<semaphore_mem>> -> memref<1x!tpu.dma_semaphore, #tpu.memory_space<semaphore_mem>>
        %dma_start3A_210 = tpu.memref_squeeze %dma_start3A_209 : memref<1x!tpu.dma_semaphore, #tpu.memory_space<semaphore_mem>> -> memref<!tpu.dma_semaphore, #tpu.memory_space<semaphore_mem>>
        %dma_start3A_211 = arith.constant 0 : i32
        %dma_start3A_212 = arith.constant 0 : i32
        %dma_start3A_213 = tpu.memref_slice %arg6[%select_n3A_142, %dma_start3A_211, %dma_start3A_212] : memref<3x2x100xi32, #tpu.memory_space<vmem>> -> memref<1x2x100xi32, #tpu.memory_space<vmem>>
        %dma_start3A_214 = tpu.memref_squeeze %dma_start3A_213 : memref<1x2x100xi32, #tpu.memory_space<vmem>> -> memref<2x100xi32, #tpu.memory_space<vmem>>
        %dma_start3A_215 = arith.constant 0 : i32
        %dma_start3A_216 = arith.constant 0 : i32
        %dma_start3A_217 = tpu.memref_slice %arg3[%add3A_200, %dma_start3A_215, %dma_start3A_216] : memref<1024x2x100xi32, #tpu.memory_space<hbm>> -> memref<1x2x100xi32, #tpu.memory_space<hbm>>
        %dma_start3A_218 = tpu.memref_squeeze %dma_start3A_217 : memref<1x2x100xi32, #tpu.memory_space<hbm>> -> memref<2x100xi32, #tpu.memory_space<hbm>>
        tpu.enqueue_dma source(%dma_start3A_218 : memref<2x100xi32, #tpu.memory_space<hbm>>) target(%dma_start3A_214 : memref<2x100xi32, #tpu.memory_space<vmem>>) target_semaphore(%dma_start3A_210 : memref<!tpu.dma_semaphore, #tpu.memory_space<semaphore_mem>>)
      } else {
      }
      %parallel_loop3A = arith.constant 0 : i32
      %parallel_loop3A_172 = arith.constant 200 : i32
      %parallel_loop3A_173 = arith.constant 1 : i32
      scf.for %parallel_loop3A_198 = %parallel_loop3A to %parallel_loop3A_172 step %parallel_loop3A_173  : i32 {
        %parallel_loop3A_199 = arith.index_cast %select_n3A_142 : i32 to index
        %parallel_loop3A_200 = arith.index_cast %parallel_loop3A_198 : i32 to index
        %parallel_loop3A_201 = arith.constant 0 : index
        %parallel_loop3A_202 = tpu.vector_load %arg7[%parallel_loop3A_199, %parallel_loop3A_200, %parallel_loop3A_201] {strides = array<i32>} : memref<3x200x128xf32, #tpu.memory_space<vmem>>, vector<1x1x16xf32>,
        %parallel_loop3A_203 = vector.shape_cast %parallel_loop3A_202 : vector<1x1x16xf32> to vector<16xf32>
        %parallel_loop3A_204 = arith.index_cast %select_n3A_142 : i32 to index
        %parallel_loop3A_205 = arith.index_cast %parallel_loop3A_198 : i32 to index
        %parallel_loop3A_206 = arith.constant 64 : index
        %parallel_loop3A_207 = tpu.vector_load %arg7[%parallel_loop3A_204, %parallel_loop3A_205, %parallel_loop3A_206] {strides = array<i32>} : memref<3x200x128xf32, #tpu.memory_space<vmem>>, vector<1x1x16xf32>,
        %parallel_loop3A_208 = vector.shape_cast %parallel_loop3A_207 : vector<1x1x16xf32> to vector<16xf32>
        %parallel_loop3A_209 = arith.index_cast %parallel_loop3A_198 : i32 to index
        %parallel_loop3A_210 = arith.constant 0 : index
        %parallel_loop3A_211 = tpu.vector_load %arg8[%parallel_loop3A_209, %parallel_loop3A_210] {strides = array<i32>} : memref<400x64xf32, #tpu.memory_space<vmem>>, vector<1x16xf32>,
        %parallel_loop3A_212 = vector.shape_cast %parallel_loop3A_211 : vector<1x16xf32> to vector<16xf32>
        %parallel_loop3A_213 = arith.constant 200 : i32
        %parallel_loop3A_214 = arith.addi %parallel_loop3A_213, %parallel_loop3A_198 : i32
        %parallel_loop3A_215 = arith.index_cast %parallel_loop3A_214 : i32 to index
        %parallel_loop3A_216 = arith.constant 0 : index
        %parallel_loop3A_217 = tpu.vector_load %arg8[%parallel_loop3A_215, %parallel_loop3A_216] {strides = array<i32>} : memref<400x64xf32, #tpu.memory_space<vmem>>, vector<1x16xf32>,
        %parallel_loop3A_218 = vector.shape_cast %parallel_loop3A_217 : vector<1x16xf32> to vector<16xf32>
        %parallel_loop3A_219 = arith.mulf %parallel_loop3A_203, %parallel_loop3A_212 : vector<16xf32>
        %parallel_loop3A_220 = arith.mulf %parallel_loop3A_208, %parallel_loop3A_218 : vector<16xf32>
        %parallel_loop3A_221 = arith.subf %parallel_loop3A_219, %parallel_loop3A_220 : vector<16xf32>
        %parallel_loop3A_222 = arith.index_cast %select_n3A_142 : i32 to index
        %parallel_loop3A_223 = arith.index_cast %parallel_loop3A_198 : i32 to index
        %parallel_loop3A_224 = arith.constant 0 : index
        %parallel_loop3A_225 = tpu.vector_load %arg7[%parallel_loop3A_222, %parallel_loop3A_223, %parallel_loop3A_224] {strides = array<i32>} : memref<3x200x128xf32, #tpu.memory_space<vmem>>, vector<1x1x16xf32>,
        %parallel_loop3A_226 = vector.shape_cast %parallel_loop3A_225 : vector<1x1x16xf32> to vector<16xf32>
        %parallel_loop3A_227 = vector.shape_cast %parallel_loop3A_221 : vector<16xf32> to vector<1x1x16xf32>
        tpu.vector_store %arg7[%parallel_loop3A_222, %parallel_loop3A_223, %parallel_loop3A_224], %parallel_loop3A_227 {strides = array<i32>} : memref<3x200x128xf32, #tpu.memory_space<vmem>>, vector<1x1x16xf32>,
        %parallel_loop3A_228 = arith.mulf %parallel_loop3A_208, %parallel_loop3A_212 : vector<16xf32>
        %parallel_loop3A_229 = arith.mulf %parallel_loop3A_203, %parallel_loop3A_218 : vector<16xf32>
        %parallel_loop3A_230 = arith.addf %parallel_loop3A_228, %parallel_loop3A_229 : vector<16xf32>
        %parallel_loop3A_231 = arith.index_cast %select_n3A_142 : i32 to index
        %parallel_loop3A_232 = arith.index_cast %parallel_loop3A_198 : i32 to index
        %parallel_loop3A_233 = arith.constant 64 : index
        %parallel_loop3A_234 = tpu.vector_load %arg7[%parallel_loop3A_231, %parallel_loop3A_232, %parallel_loop3A_233] {strides = array<i32>} : memref<3x200x128xf32, #tpu.memory_space<vmem>>, vector<1x1x16xf32>,
        %parallel_loop3A_235 = vector.shape_cast %parallel_loop3A_234 : vector<1x1x16xf32> to vector<16xf32>
        %parallel_loop3A_236 = vector.shape_cast %parallel_loop3A_230 : vector<16xf32> to vector<1x1x16xf32>
        tpu.vector_store %arg7[%parallel_loop3A_231, %parallel_loop3A_232, %parallel_loop3A_233], %parallel_loop3A_236 {strides = array<i32>} : memref<3x200x128xf32, #tpu.memory_space<vmem>>, vector<1x1x16xf32>,
        %parallel_loop3A_237 = arith.index_cast %select_n3A_142 : i32 to index
        %parallel_loop3A_238 = arith.index_cast %parallel_loop3A_198 : i32 to index
        %parallel_loop3A_239 = arith.constant 16 : index
        %parallel_loop3A_240 = tpu.vector_load %arg7[%parallel_loop3A_237, %parallel_loop3A_238, %parallel_loop3A_239] {strides = array<i32>} : memref<3x200x128xf32, #tpu.memory_space<vmem>>, vector<1x1x16xf32>,
        %parallel_loop3A_241 = vector.shape_cast %parallel_loop3A_240 : vector<1x1x16xf32> to vector<16xf32>
        %parallel_loop3A_242 = arith.index_cast %select_n3A_142 : i32 to index
        %parallel_loop3A_243 = arith.index_cast %parallel_loop3A_198 : i32 to index
        %parallel_loop3A_244 = arith.constant 80 : index
        %parallel_loop3A_245 = tpu.vector_load %arg7[%parallel_loop3A_242, %parallel_loop3A_243, %parallel_loop3A_244] {strides = array<i32>} : memref<3x200x128xf32, #tpu.memory_space<vmem>>, vector<1x1x16xf32>,
        %parallel_loop3A_246 = vector.shape_cast %parallel_loop3A_245 : vector<1x1x16xf32> to vector<16xf32>
        %parallel_loop3A_247 = arith.index_cast %parallel_loop3A_198 : i32 to index
        %parallel_loop3A_248 = arith.constant 16 : index
        %parallel_loop3A_249 = tpu.vector_load %arg8[%parallel_loop3A_247, %parallel_loop3A_248] {strides = array<i32>} : memref<400x64xf32, #tpu.memory_space<vmem>>, vector<1x16xf32>,
        %parallel_loop3A_250 = vector.shape_cast %parallel_loop3A_249 : vector<1x16xf32> to vector<16xf32>
        %parallel_loop3A_251 = arith.constant 200 : i32
        %parallel_loop3A_252 = arith.addi %parallel_loop3A_251, %parallel_loop3A_198 : i32
        %parallel_loop3A_253 = arith.index_cast %parallel_loop3A_252 : i32 to index
        %parallel_loop3A_254 = arith.constant 16 : index
        %parallel_loop3A_255 = tpu.vector_load %arg8[%parallel_loop3A_253, %parallel_loop3A_254] {strides = array<i32>} : memref<400x64xf32, #tpu.memory_space<vmem>>, vector<1x16xf32>,
        %parallel_loop3A_256 = vector.shape_cast %parallel_loop3A_255 : vector<1x16xf32> to vector<16xf32>
        %parallel_loop3A_257 = arith.mulf %parallel_loop3A_241, %parallel_loop3A_250 : vector<16xf32>
        %parallel_loop3A_258 = arith.mulf %parallel_loop3A_246, %parallel_loop3A_256 : vector<16xf32>
        %parallel_loop3A_259 = arith.subf %parallel_loop3A_257, %parallel_loop3A_258 : vector<16xf32>
        %parallel_loop3A_260 = arith.index_cast %select_n3A_142 : i32 to index
        %parallel_loop3A_261 = arith.index_cast %parallel_loop3A_198 : i32 to index
        %parallel_loop3A_262 = arith.constant 16 : index
        %parallel_loop3A_263 = tpu.vector_load %arg7[%parallel_loop3A_260, %parallel_loop3A_261, %parallel_loop3A_262] {strides = array<i32>} : memref<3x200x128xf32, #tpu.memory_space<vmem>>, vector<1x1x16xf32>,
        %parallel_loop3A_264 = vector.shape_cast %parallel_loop3A_263 : vector<1x1x16xf32> to vector<16xf32>
        %parallel_loop3A_265 = vector.shape_cast %parallel_loop3A_259 : vector<16xf32> to vector<1x1x16xf32>
        tpu.vector_store %arg7[%parallel_loop3A_260, %parallel_loop3A_261, %parallel_loop3A_262], %parallel_loop3A_265 {strides = array<i32>} : memref<3x200x128xf32, #tpu.memory_space<vmem>>, vector<1x1x16xf32>,
        %parallel_loop3A_266 = arith.mulf %parallel_loop3A_246, %parallel_loop3A_250 : vector<16xf32>
        %parallel_loop3A_267 = arith.mulf %parallel_loop3A_241, %parallel_loop3A_256 : vector<16xf32>
        %parallel_loop3A_268 = arith.addf %parallel_loop3A_266, %parallel_loop3A_267 : vector<16xf32>
        %parallel_loop3A_269 = arith.index_cast %select_n3A_142 : i32 to index
        %parallel_loop3A_270 = arith.index_cast %parallel_loop3A_198 : i32 to index
        %parallel_loop3A_271 = arith.constant 80 : index
        %parallel_loop3A_272 = tpu.vector_load %arg7[%parallel_loop3A_269, %parallel_loop3A_270, %parallel_loop3A_271] {strides = array<i32>} : memref<3x200x128xf32, #tpu.memory_space<vmem>>, vector<1x1x16xf32>,
        %parallel_loop3A_273 = vector.shape_cast %parallel_loop3A_272 : vector<1x1x16xf32> to vector<16xf32>
        %parallel_loop3A_274 = vector.shape_cast %parallel_loop3A_268 : vector<16xf32> to vector<1x1x16xf32>
        tpu.vector_store %arg7[%parallel_loop3A_269, %parallel_loop3A_270, %parallel_loop3A_271], %parallel_loop3A_274 {strides = array<i32>} : memref<3x200x128xf32, #tpu.memory_space<vmem>>, vector<1x1x16xf32>,
        %parallel_loop3A_275 = arith.index_cast %select_n3A_142 : i32 to index
        %parallel_loop3A_276 = arith.index_cast %parallel_loop3A_198 : i32 to index
        %parallel_loop3A_277 = arith.constant 32 : index
        %parallel_loop3A_278 = tpu.vector_load %arg7[%parallel_loop3A_275, %parallel_loop3A_276, %parallel_loop3A_277] {strides = array<i32>} : memref<3x200x128xf32, #tpu.memory_space<vmem>>, vector<1x1x16xf32>,
        %parallel_loop3A_279 = vector.shape_cast %parallel_loop3A_278 : vector<1x1x16xf32> to vector<16xf32>
        %parallel_loop3A_280 = arith.index_cast %select_n3A_142 : i32 to index
        %parallel_loop3A_281 = arith.index_cast %parallel_loop3A_198 : i32 to index
        %parallel_loop3A_282 = arith.constant 96 : index
        %parallel_loop3A_283 = tpu.vector_load %arg7[%parallel_loop3A_280, %parallel_loop3A_281, %parallel_loop3A_282] {strides = array<i32>} : memref<3x200x128xf32, #tpu.memory_space<vmem>>, vector<1x1x16xf32>,
        %parallel_loop3A_284 = vector.shape_cast %parallel_loop3A_283 : vector<1x1x16xf32> to vector<16xf32>
        %parallel_loop3A_285 = arith.index_cast %parallel_loop3A_198 : i32 to index
        %parallel_loop3A_286 = arith.constant 32 : index
        %parallel_loop3A_287 = tpu.vector_load %arg8[%parallel_loop3A_285, %parallel_loop3A_286] {strides = array<i32>} : memref<400x64xf32, #tpu.memory_space<vmem>>, vector<1x16xf32>,
        %parallel_loop3A_288 = vector.shape_cast %parallel_loop3A_287 : vector<1x16xf32> to vector<16xf32>
        %parallel_loop3A_289 = arith.constant 200 : i32
        %parallel_loop3A_290 = arith.addi %parallel_loop3A_289, %parallel_loop3A_198 : i32
        %parallel_loop3A_291 = arith.index_cast %parallel_loop3A_290 : i32 to index
        %parallel_loop3A_292 = arith.constant 32 : index
        %parallel_loop3A_293 = tpu.vector_load %arg8[%parallel_loop3A_291, %parallel_loop3A_292] {strides = array<i32>} : memref<400x64xf32, #tpu.memory_space<vmem>>, vector<1x16xf32>,
        %parallel_loop3A_294 = vector.shape_cast %parallel_loop3A_293 : vector<1x16xf32> to vector<16xf32>
        %parallel_loop3A_295 = arith.mulf %parallel_loop3A_279, %parallel_loop3A_288 : vector<16xf32>
        %parallel_loop3A_296 = arith.mulf %parallel_loop3A_284, %parallel_loop3A_294 : vector<16xf32>
        %parallel_loop3A_297 = arith.subf %parallel_loop3A_295, %parallel_loop3A_296 : vector<16xf32>
        %parallel_loop3A_298 = arith.index_cast %select_n3A_142 : i32 to index
        %parallel_loop3A_299 = arith.index_cast %parallel_loop3A_198 : i32 to index
        %parallel_loop3A_300 = arith.constant 32 : index
        %parallel_loop3A_301 = tpu.vector_load %arg7[%parallel_loop3A_298, %parallel_loop3A_299, %parallel_loop3A_300] {strides = array<i32>} : memref<3x200x128xf32, #tpu.memory_space<vmem>>, vector<1x1x16xf32>,
        %parallel_loop3A_302 = vector.shape_cast %parallel_loop3A_301 : vector<1x1x16xf32> to vector<16xf32>
        %parallel_loop3A_303 = vector.shape_cast %parallel_loop3A_297 : vector<16xf32> to vector<1x1x16xf32>
        tpu.vector_store %arg7[%parallel_loop3A_298, %parallel_loop3A_299, %parallel_loop3A_300], %parallel_loop3A_303 {strides = array<i32>} : memref<3x200x128xf32, #tpu.memory_space<vmem>>, vector<1x1x16xf32>,
        %parallel_loop3A_304 = arith.mulf %parallel_loop3A_284, %parallel_loop3A_288 : vector<16xf32>
        %parallel_loop3A_305 = arith.mulf %parallel_loop3A_279, %parallel_loop3A_294 : vector<16xf32>
        %parallel_loop3A_306 = arith.addf %parallel_loop3A_304, %parallel_loop3A_305 : vector<16xf32>
        %parallel_loop3A_307 = arith.index_cast %select_n3A_142 : i32 to index
        %parallel_loop3A_308 = arith.index_cast %parallel_loop3A_198 : i32 to index
        %parallel_loop3A_309 = arith.constant 96 : index
        %parallel_loop3A_310 = tpu.vector_load %arg7[%parallel_loop3A_307, %parallel_loop3A_308, %parallel_loop3A_309] {strides = array<i32>} : memref<3x200x128xf32, #tpu.memory_space<vmem>>, vector<1x1x16xf32>,
        %parallel_loop3A_311 = vector.shape_cast %parallel_loop3A_310 : vector<1x1x16xf32> to vector<16xf32>
        %parallel_loop3A_312 = vector.shape_cast %parallel_loop3A_306 : vector<16xf32> to vector<1x1x16xf32>
        tpu.vector_store %arg7[%parallel_loop3A_307, %parallel_loop3A_308, %parallel_loop3A_309], %parallel_loop3A_312 {strides = array<i32>} : memref<3x200x128xf32, #tpu.memory_space<vmem>>, vector<1x1x16xf32>,
        %parallel_loop3A_313 = arith.index_cast %select_n3A_142 : i32 to index
        %parallel_loop3A_314 = arith.index_cast %parallel_loop3A_198 : i32 to index
        %parallel_loop3A_315 = arith.constant 48 : index
        %parallel_loop3A_316 = tpu.vector_load %arg7[%parallel_loop3A_313, %parallel_loop3A_314, %parallel_loop3A_315] {strides = array<i32>} : memref<3x200x128xf32, #tpu.memory_space<vmem>>, vector<1x1x16xf32>,
        %parallel_loop3A_317 = vector.shape_cast %parallel_loop3A_316 : vector<1x1x16xf32> to vector<16xf32>
        %parallel_loop3A_318 = arith.index_cast %select_n3A_142 : i32 to index
        %parallel_loop3A_319 = arith.index_cast %parallel_loop3A_198 : i32 to index
        %parallel_loop3A_320 = arith.constant 112 : index
        %parallel_loop3A_321 = tpu.vector_load %arg7[%parallel_loop3A_318, %parallel_loop3A_319, %parallel_loop3A_320] {strides = array<i32>} : memref<3x200x128xf32, #tpu.memory_space<vmem>>, vector<1x1x16xf32>,
        %parallel_loop3A_322 = vector.shape_cast %parallel_loop3A_321 : vector<1x1x16xf32> to vector<16xf32>
        %parallel_loop3A_323 = arith.index_cast %parallel_loop3A_198 : i32 to index
        %parallel_loop3A_324 = arith.constant 48 : index
        %parallel_loop3A_325 = tpu.vector_load %arg8[%parallel_loop3A_323, %parallel_loop3A_324] {strides = array<i32>} : memref<400x64xf32, #tpu.memory_space<vmem>>, vector<1x16xf32>,
        %parallel_loop3A_326 = vector.shape_cast %parallel_loop3A_325 : vector<1x16xf32> to vector<16xf32>
        %parallel_loop3A_327 = arith.constant 200 : i32
        %parallel_loop3A_328 = arith.addi %parallel_loop3A_327, %parallel_loop3A_198 : i32
        %parallel_loop3A_329 = arith.index_cast %parallel_loop3A_328 : i32 to index
        %parallel_loop3A_330 = arith.constant 48 : index
        %parallel_loop3A_331 = tpu.vector_load %arg8[%parallel_loop3A_329, %parallel_loop3A_330] {strides = array<i32>} : memref<400x64xf32, #tpu.memory_space<vmem>>, vector<1x16xf32>,
        %parallel_loop3A_332 = vector.shape_cast %parallel_loop3A_331 : vector<1x16xf32> to vector<16xf32>
        %parallel_loop3A_333 = arith.mulf %parallel_loop3A_317, %parallel_loop3A_326 : vector<16xf32>
        %parallel_loop3A_334 = arith.mulf %parallel_loop3A_322, %parallel_loop3A_332 : vector<16xf32>
        %parallel_loop3A_335 = arith.subf %parallel_loop3A_333, %parallel_loop3A_334 : vector<16xf32>
        %parallel_loop3A_336 = arith.index_cast %select_n3A_142 : i32 to index
        %parallel_loop3A_337 = arith.index_cast %parallel_loop3A_198 : i32 to index
        %parallel_loop3A_338 = arith.constant 48 : index
        %parallel_loop3A_339 = tpu.vector_load %arg7[%parallel_loop3A_336, %parallel_loop3A_337, %parallel_loop3A_338] {strides = array<i32>} : memref<3x200x128xf32, #tpu.memory_space<vmem>>, vector<1x1x16xf32>,
        %parallel_loop3A_340 = vector.shape_cast %parallel_loop3A_339 : vector<1x1x16xf32> to vector<16xf32>
        %parallel_loop3A_341 = vector.shape_cast %parallel_loop3A_335 : vector<16xf32> to vector<1x1x16xf32>
        tpu.vector_store %arg7[%parallel_loop3A_336, %parallel_loop3A_337, %parallel_loop3A_338], %parallel_loop3A_341 {strides = array<i32>} : memref<3x200x128xf32, #tpu.memory_space<vmem>>, vector<1x1x16xf32>,
        %parallel_loop3A_342 = arith.mulf %parallel_loop3A_322, %parallel_loop3A_326 : vector<16xf32>
        %parallel_loop3A_343 = arith.mulf %parallel_loop3A_317, %parallel_loop3A_332 : vector<16xf32>
        %parallel_loop3A_344 = arith.addf %parallel_loop3A_342, %parallel_loop3A_343 : vector<16xf32>
        %parallel_loop3A_345 = arith.index_cast %select_n3A_142 : i32 to index
        %parallel_loop3A_346 = arith.index_cast %parallel_loop3A_198 : i32 to index
        %parallel_loop3A_347 = arith.constant 112 : index
        %parallel_loop3A_348 = tpu.vector_load %arg7[%parallel_loop3A_345, %parallel_loop3A_346, %parallel_loop3A_347] {strides = array<i32>} : memref<3x200x128xf32, #tpu.memory_space<vmem>>, vector<1x1x16xf32>,
        %parallel_loop3A_349 = vector.shape_cast %parallel_loop3A_348 : vector<1x1x16xf32> to vector<16xf32>
        %parallel_loop3A_350 = vector.shape_cast %parallel_loop3A_344 : vector<16xf32> to vector<1x1x16xf32>
        tpu.vector_store %arg7[%parallel_loop3A_345, %parallel_loop3A_346, %parallel_loop3A_347], %parallel_loop3A_350 {strides = array<i32>} : memref<3x200x128xf32, #tpu.memory_space<vmem>>, vector<1x1x16xf32>,
      } {sc.loop_unroll_factor = 4 : i64, sc.parallel_access}
      %add3A_174 = arith.addi %mul3A_2, %scan3A_133 : i32
      %dma_start3A_175 = arith.constant 0 : i32
      %dma_start3A_176 = arith.constant 0 : i32
      %dma_start3A_177 = tpu.memref_slice %arg7[%select_n3A_142, %dma_start3A_175, %dma_start3A_176] : memref<3x200x128xf32, #tpu.memory_space<vmem>> -> memref<1x200x128xf32, #tpu.memory_space<vmem>>
      %dma_start3A_178 = tpu.memref_squeeze %dma_start3A_177 : memref<1x200x128xf32, #tpu.memory_space<vmem>> -> memref<200x128xf32, #tpu.memory_space<vmem>>
      %dma_start3A_179 = arith.constant 0 : i32
      %dma_start3A_180 = arith.constant 0 : i32
      %dma_start3A_181 = tpu.memref_slice %arg5[%add3A_174, %dma_start3A_179, %dma_start3A_180] : memref<1024x200x128xf32, #tpu.memory_space<hbm>> -> memref<1x200x128xf32, #tpu.memory_space<hbm>>
      %dma_start3A_182 = tpu.memref_squeeze %dma_start3A_181 : memref<1x200x128xf32, #tpu.memory_space<hbm>> -> memref<200x128xf32, #tpu.memory_space<hbm>>
      %dma_start3A_183 = tpu.memref_slice %arg10[%select_n3A_142] : memref<3x!tpu.dma_semaphore, #tpu.memory_space<semaphore_mem>> -> memref<1x!tpu.dma_semaphore, #tpu.memory_space<semaphore_mem>>
      %dma_start3A_184 = tpu.memref_squeeze %dma_start3A_183 : memref<1x!tpu.dma_semaphore, #tpu.memory_space<semaphore_mem>> -> memref<!tpu.dma_semaphore, #tpu.memory_space<semaphore_mem>>
      %dma_start3A_185 = arith.constant 0 : i32
      %dma_start3A_186 = arith.constant 0 : i32
      %dma_start3A_187 = tpu.memref_slice %arg5[%add3A_174, %dma_start3A_185, %dma_start3A_186] : memref<1024x200x128xf32, #tpu.memory_space<hbm>> -> memref<1x200x128xf32, #tpu.memory_space<hbm>>
      %dma_start3A_188 = tpu.memref_squeeze %dma_start3A_187 : memref<1x200x128xf32, #tpu.memory_space<hbm>> -> memref<200x128xf32, #tpu.memory_space<hbm>>
      %dma_start3A_189 = arith.constant 0 : i32
      %dma_start3A_190 = arith.constant 0 : i32
      %dma_start3A_191 = tpu.memref_slice %arg7[%select_n3A_142, %dma_start3A_189, %dma_start3A_190] : memref<3x200x128xf32, #tpu.memory_space<vmem>> -> memref<1x200x128xf32, #tpu.memory_space<vmem>>
      %dma_start3A_192 = tpu.memref_squeeze %dma_start3A_191 : memref<1x200x128xf32, #tpu.memory_space<vmem>> -> memref<200x128xf32, #tpu.memory_space<vmem>>
      tpu.enqueue_dma source(%dma_start3A_192 : memref<200x128xf32, #tpu.memory_space<vmem>>) target(%dma_start3A_188 : memref<200x128xf32, #tpu.memory_space<hbm>>) target_semaphore(%dma_start3A_184 : memref<!tpu.dma_semaphore, #tpu.memory_space<semaphore_mem>>)
      %lt3A_193 = arith.constant 30 : i32
      %lt3A_194 = arith.cmpi slt, %scan3A_133, %lt3A_193 : i32
      %convert_element_type3A_195 = arith.extui %lt3A_194 : i1 to i32
      %cond3A_196 = arith.constant 0 : i32
      %cond3A_197 = arith.cmpi ne, %convert_element_type3A_195, %cond3A_196 : i32
      scf.if %cond3A_197 {
        %add3A_198 = arith.constant 2 : i32
        %add3A_199 = arith.addi %scan3A_133, %add3A_198 : i32
        %jit3A_200 = arith.constant 3 : i32
        %eq3A_201 = arith.constant 0 : i32
        %eq3A_202 = arith.cmpi eq, %jit3A_200, %eq3A_201 : i32
        %jit3A_203 = arith.constant 1 : i32
        %select_n3A_204 = arith.select %eq3A_202, %jit3A_203, %jit3A_200 : i32
        %rem3A_205 = arith.remsi %add3A_199, %select_n3A_204 : i32
        %ne3A_206 = arith.constant 0 : i32
        %ne3A_207 = arith.cmpi ne, %rem3A_205, %ne3A_206 : i32
        %lt3A_208 = arith.constant 0 : i32
        %lt3A_209 = arith.cmpi slt, %rem3A_205, %lt3A_208 : i32
        %lt3A_210 = arith.constant 0 : i32
        %lt3A_211 = arith.cmpi slt, %select_n3A_204, %lt3A_210 : i32
        %ne3A_212 = arith.xori %lt3A_209, %lt3A_211 : i1
        %and3A_213 = arith.andi %ne3A_212, %ne3A_207 : i1
        %add3A_214 = arith.addi %rem3A_205, %select_n3A_204 : i32
        %select_n3A_215 = arith.select %and3A_213, %add3A_214, %rem3A_205 : i32
        %ge3A = arith.constant 1 : i32
        %ge3A_216 = arith.cmpi sge, %scan3A_133, %ge3A : i32
        %convert_element_type3A_217 = arith.extui %ge3A_216 : i1 to i32
        %cond3A_218 = arith.constant 0 : i32
        %cond3A_219 = arith.cmpi ne, %convert_element_type3A_217, %cond3A_218 : i32
        scf.if %cond3A_219 {
          %dma_wait3A_248 = arith.constant 0 : i32
          %dma_wait3A_249 = arith.constant 0 : i32
          %dma_wait3A_250 = arith.constant 0 : i32
          %dma_wait3A_251 = tpu.memref_slice %arg7[%select_n3A_215, %dma_wait3A_249, %dma_wait3A_250] : memref<3x200x128xf32, #tpu.memory_space<vmem>> -> memref<1x200x128xf32, #tpu.memory_space<vmem>>
          %dma_wait3A_252 = tpu.memref_squeeze %dma_wait3A_251 : memref<1x200x128xf32, #tpu.memory_space<vmem>> -> memref<200x128xf32, #tpu.memory_space<vmem>>
          %dma_wait3A_253 = arith.constant 0 : i32
          %dma_wait3A_254 = arith.constant 0 : i32
          %dma_wait3A_255 = tpu.memref_slice %arg5[%dma_wait3A_248, %dma_wait3A_253, %dma_wait3A_254] : memref<1024x200x128xf32, #tpu.memory_space<hbm>> -> memref<1x200x128xf32, #tpu.memory_space<hbm>>
          %dma_wait3A_256 = tpu.memref_squeeze %dma_wait3A_255 : memref<1x200x128xf32, #tpu.memory_space<hbm>> -> memref<200x128xf32, #tpu.memory_space<hbm>>
          %dma_wait3A_257 = tpu.memref_slice %arg10[%select_n3A_215] : memref<3x!tpu.dma_semaphore, #tpu.memory_space<semaphore_mem>> -> memref<1x!tpu.dma_semaphore, #tpu.memory_space<semaphore_mem>>
          %dma_wait3A_258 = tpu.memref_squeeze %dma_wait3A_257 : memref<1x!tpu.dma_semaphore, #tpu.memory_space<semaphore_mem>> -> memref<!tpu.dma_semaphore, #tpu.memory_space<semaphore_mem>>
          %dma_wait3A_259 = arith.constant 0 : i32
          %dma_wait3A_260 = arith.constant 0 : i32
          %dma_wait3A_261 = tpu.memref_slice %arg5[%dma_wait3A_248, %dma_wait3A_259, %dma_wait3A_260] : memref<1024x200x128xf32, #tpu.memory_space<hbm>> -> memref<1x200x128xf32, #tpu.memory_space<hbm>>
          %dma_wait3A_262 = tpu.memref_squeeze %dma_wait3A_261 : memref<1x200x128xf32, #tpu.memory_space<hbm>> -> memref<200x128xf32, #tpu.memory_space<hbm>>
          %dma_wait3A_263 = arith.constant 0 : i32
          %dma_wait3A_264 = arith.constant 0 : i32
          %dma_wait3A_265 = tpu.memref_slice %arg7[%select_n3A_215, %dma_wait3A_263, %dma_wait3A_264] : memref<3x200x128xf32, #tpu.memory_space<vmem>> -> memref<1x200x128xf32, #tpu.memory_space<vmem>>
          %dma_wait3A_266 = tpu.memref_squeeze %dma_wait3A_265 : memref<1x200x128xf32, #tpu.memory_space<vmem>> -> memref<200x128xf32, #tpu.memory_space<vmem>>
          tpu.wait_dma2 semaphore(%dma_wait3A_258 : memref<!tpu.dma_semaphore, #tpu.memory_space<semaphore_mem>>) src(%dma_wait3A_266 : memref<200x128xf32, #tpu.memory_space<vmem>>) dst(%dma_wait3A_262 : memref<200x128xf32, #tpu.memory_space<hbm>>)
          %dma_wait3A_267 = arith.constant 0 : i32
          %dma_wait3A_268 = arith.constant 0 : i32
          %dma_wait3A_269 = arith.constant 0 : i32
          %dma_wait3A_270 = tpu.memref_slice %arg6[%select_n3A_215, %dma_wait3A_268, %dma_wait3A_269] : memref<3x2x100xi32, #tpu.memory_space<vmem>> -> memref<1x2x100xi32, #tpu.memory_space<vmem>>
          %dma_wait3A_271 = tpu.memref_squeeze %dma_wait3A_270 : memref<1x2x100xi32, #tpu.memory_space<vmem>> -> memref<2x100xi32, #tpu.memory_space<vmem>>
          %dma_wait3A_272 = arith.constant 0 : i32
          %dma_wait3A_273 = arith.constant 0 : i32
          %dma_wait3A_274 = tpu.memref_slice %arg3[%dma_wait3A_267, %dma_wait3A_272, %dma_wait3A_273] : memref<1024x2x100xi32, #tpu.memory_space<hbm>> -> memref<1x2x100xi32, #tpu.memory_space<hbm>>
          %dma_wait3A_275 = tpu.memref_squeeze %dma_wait3A_274 : memref<1x2x100xi32, #tpu.memory_space<hbm>> -> memref<2x100xi32, #tpu.memory_space<hbm>>
          %dma_wait3A_276 = tpu.memref_slice %arg11[%select_n3A_215] : memref<3x!tpu.dma_semaphore, #tpu.memory_space<semaphore_mem>> -> memref<1x!tpu.dma_semaphore, #tpu.memory_space<semaphore_mem>>
          %dma_wait3A_277 = tpu.memref_squeeze %dma_wait3A_276 : memref<1x!tpu.dma_semaphore, #tpu.memory_space<semaphore_mem>> -> memref<!tpu.dma_semaphore, #tpu.memory_space<semaphore_mem>>
          %dma_wait3A_278 = arith.constant 0 : i32
          %dma_wait3A_279 = arith.constant 0 : i32
          %dma_wait3A_280 = tpu.memref_slice %arg6[%select_n3A_215, %dma_wait3A_278, %dma_wait3A_279] : memref<3x2x100xi32, #tpu.memory_space<vmem>> -> memref<1x2x100xi32, #tpu.memory_space<vmem>>
          %dma_wait3A_281 = tpu.memref_squeeze %dma_wait3A_280 : memref<1x2x100xi32, #tpu.memory_space<vmem>> -> memref<2x100xi32, #tpu.memory_space<vmem>>
          %dma_wait3A_282 = arith.constant 0 : i32
          %dma_wait3A_283 = arith.constant 0 : i32
          %dma_wait3A_284 = tpu.memref_slice %arg3[%dma_wait3A_267, %dma_wait3A_282, %dma_wait3A_283] : memref<1024x2x100xi32, #tpu.memory_space<hbm>> -> memref<1x2x100xi32, #tpu.memory_space<hbm>>
          %dma_wait3A_285 = tpu.memref_squeeze %dma_wait3A_284 : memref<1x2x100xi32, #tpu.memory_space<hbm>> -> memref<2x100xi32, #tpu.memory_space<hbm>>
          tpu.wait_dma2 semaphore(%dma_wait3A_277 : memref<!tpu.dma_semaphore, #tpu.memory_space<semaphore_mem>>) src(%dma_wait3A_285 : memref<2x100xi32, #tpu.memory_space<hbm>>) dst(%dma_wait3A_281 : memref<2x100xi32, #tpu.memory_space<vmem>>)
        } else {
        }
        %add3A_220 = arith.constant 2 : i32
        %add3A_221 = arith.addi %scan3A_133, %add3A_220 : i32
        %dma_start3A_222 = arith.constant 0 : i32
        %dma_start3A_223 = arith.constant 0 : i32
        %dma_start3A_224 = arith.constant 0 : i32
        %dma_start3A_225 = tpu.memref_slice %arg7[%select_n3A_215, %dma_start3A_223, %dma_start3A_224] : memref<3x200x128xf32, #tpu.memory_space<vmem>> -> memref<1x100x128xf32, #tpu.memory_space<vmem>>
        %dma_start3A_226 = tpu.memref_squeeze %dma_start3A_225 : memref<1x100x128xf32, #tpu.memory_space<vmem>> -> memref<100x128xf32, #tpu.memory_space<vmem>>
        %dma_start3A_227 = arith.constant 0 : i32
        %dma_start3A_228 = tpu.memref_slice %arg6[%select_n3A_215, %dma_start3A_222, %dma_start3A_227] : memref<3x2x100xi32, #tpu.memory_space<vmem>> -> memref<1x1x100xi32, #tpu.memory_space<vmem>>
        %dma_start3A_229 = tpu.memref_squeeze %dma_start3A_228 : memref<1x1x100xi32, #tpu.memory_space<vmem>> -> memref<100xi32, #tpu.memory_space<vmem>>
        %dma_start3A_230 = arith.constant 0 : i32
        %dma_start3A_231 = arith.constant 0 : i32
        %dma_start3A_232 = tpu.memref_slice %arg2[%dma_start3A_230, %dma_start3A_231] : memref<1000000x128xf32, #tpu.memory_space<hbm>> -> memref<1000000x128xf32, #tpu.memory_space<hbm>>
        %dma_start3A_233 = tpu.memref_slice %arg9[%select_n3A_215] : memref<3x!tpu.dma_semaphore, #tpu.memory_space<semaphore_mem>> -> memref<1x!tpu.dma_semaphore, #tpu.memory_space<semaphore_mem>>
        %dma_start3A_234 = tpu.memref_squeeze %dma_start3A_233 : memref<1x!tpu.dma_semaphore, #tpu.memory_space<semaphore_mem>> -> memref<!tpu.dma_semaphore, #tpu.memory_space<semaphore_mem>>
        tpu.enqueue_indirect_dma source(%dma_start3A_232 : memref<1000000x128xf32, #tpu.memory_space<hbm>>) target(%dma_start3A_226 : memref<100x128xf32, #tpu.memory_space<vmem>>) offsets(%dma_start3A_229 : memref<100xi32, #tpu.memory_space<vmem>>) semaphore(%dma_start3A_234 : memref<!tpu.dma_semaphore, #tpu.memory_space<semaphore_mem>>)
        %dma_start3A_235 = arith.constant 1 : i32
        %dma_start3A_236 = arith.constant 100 : i32
        %dma_start3A_237 = arith.constant 0 : i32
        %dma_start3A_238 = tpu.memref_slice %arg7[%select_n3A_215, %dma_start3A_236, %dma_start3A_237] : memref<3x200x128xf32, #tpu.memory_space<vmem>> -> memref<1x100x128xf32, #tpu.memory_space<vmem>>
        %dma_start3A_239 = tpu.memref_squeeze %dma_start3A_238 : memref<1x100x128xf32, #tpu.memory_space<vmem>> -> memref<100x128xf32, #tpu.memory_space<vmem>>
        %dma_start3A_240 = arith.constant 0 : i32
        %dma_start3A_241 = tpu.memref_slice %arg6[%select_n3A_215, %dma_start3A_235, %dma_start3A_240] : memref<3x2x100xi32, #tpu.memory_space<vmem>> -> memref<1x1x100xi32, #tpu.memory_space<vmem>>
        %dma_start3A_242 = tpu.memref_squeeze %dma_start3A_241 : memref<1x1x100xi32, #tpu.memory_space<vmem>> -> memref<100xi32, #tpu.memory_space<vmem>>
        %dma_start3A_243 = arith.constant 0 : i32
        %dma_start3A_244 = arith.constant 0 : i32
        %dma_start3A_245 = tpu.memref_slice %arg2[%dma_start3A_243, %dma_start3A_244] : memref<1000000x128xf32, #tpu.memory_space<hbm>> -> memref<1000000x128xf32, #tpu.memory_space<hbm>>
        %dma_start3A_246 = tpu.memref_slice %arg9[%select_n3A_215] : memref<3x!tpu.dma_semaphore, #tpu.memory_space<semaphore_mem>> -> memref<1x!tpu.dma_semaphore, #tpu.memory_space<semaphore_mem>>
        %dma_start3A_247 = tpu.memref_squeeze %dma_start3A_246 : memref<1x!tpu.dma_semaphore, #tpu.memory_space<semaphore_mem>> -> memref<!tpu.dma_semaphore, #tpu.memory_space<semaphore_mem>>
        tpu.enqueue_indirect_dma source(%dma_start3A_245 : memref<1000000x128xf32, #tpu.memory_space<hbm>>) target(%dma_start3A_239 : memref<100x128xf32, #tpu.memory_space<vmem>>) offsets(%dma_start3A_242 : memref<100xi32, #tpu.memory_space<vmem>>) semaphore(%dma_start3A_247 : memref<!tpu.dma_semaphore, #tpu.memory_space<semaphore_mem>>)
      } else {
      }
    }
    %scan3A_70 = arith.constant 32 : i32
    %dma_wait3A = arith.constant 0 : i32
    %dma_wait3A_71 = arith.constant 0 : i32
    %dma_wait3A_72 = arith.constant 0 : i32
    %dma_wait3A_73 = arith.constant 0 : i32
    %dma_wait3A_74 = arith.constant 0 : i32
    %dma_wait3A_75 = tpu.memref_slice %arg7[%dma_wait3A, %dma_wait3A_73, %dma_wait3A_74] : memref<3x200x128xf32, #tpu.memory_space<vmem>> -> memref<1x200x128xf32, #tpu.memory_space<vmem>>
    %dma_wait3A_76 = tpu.memref_squeeze %dma_wait3A_75 : memref<1x200x128xf32, #tpu.memory_space<vmem>> -> memref<200x128xf32, #tpu.memory_space<vmem>>
    %dma_wait3A_77 = arith.constant 0 : i32
    %dma_wait3A_78 = arith.constant 0 : i32
    %dma_wait3A_79 = tpu.memref_slice %arg5[%dma_wait3A_71, %dma_wait3A_77, %dma_wait3A_78] : memref<1024x200x128xf32, #tpu.memory_space<hbm>> -> memref<1x200x128xf32, #tpu.memory_space<hbm>>
    %dma_wait3A_80 = tpu.memref_squeeze %dma_wait3A_79 : memref<1x200x128xf32, #tpu.memory_space<hbm>> -> memref<200x128xf32, #tpu.memory_space<hbm>>
    %dma_wait3A_81 = tpu.memref_slice %arg10[%dma_wait3A_72] : memref<3x!tpu.dma_semaphore, #tpu.memory_space<semaphore_mem>> -> memref<1x!tpu.dma_semaphore, #tpu.memory_space<semaphore_mem>>
    %dma_wait3A_82 = tpu.memref_squeeze %dma_wait3A_81 : memref<1x!tpu.dma_semaphore, #tpu.memory_space<semaphore_mem>> -> memref<!tpu.dma_semaphore, #tpu.memory_space<semaphore_mem>>
    %dma_wait3A_83 = arith.constant 0 : i32
    %dma_wait3A_84 = arith.constant 0 : i32
    %dma_wait3A_85 = tpu.memref_slice %arg5[%dma_wait3A_71, %dma_wait3A_83, %dma_wait3A_84] : memref<1024x200x128xf32, #tpu.memory_space<hbm>> -> memref<1x200x128xf32, #tpu.memory_space<hbm>>
    %dma_wait3A_86 = tpu.memref_squeeze %dma_wait3A_85 : memref<1x200x128xf32, #tpu.memory_space<hbm>> -> memref<200x128xf32, #tpu.memory_space<hbm>>
    %dma_wait3A_87 = arith.constant 0 : i32
    %dma_wait3A_88 = arith.constant 0 : i32
    %dma_wait3A_89 = tpu.memref_slice %arg7[%dma_wait3A, %dma_wait3A_87, %dma_wait3A_88] : memref<3x200x128xf32, #tpu.memory_space<vmem>> -> memref<1x200x128xf32, #tpu.memory_space<vmem>>
    %dma_wait3A_90 = tpu.memref_squeeze %dma_wait3A_89 : memref<1x200x128xf32, #tpu.memory_space<vmem>> -> memref<200x128xf32, #tpu.memory_space<vmem>>
    tpu.wait_dma2 semaphore(%dma_wait3A_82 : memref<!tpu.dma_semaphore, #tpu.memory_space<semaphore_mem>>) src(%dma_wait3A_90 : memref<200x128xf32, #tpu.memory_space<vmem>>) dst(%dma_wait3A_86 : memref<200x128xf32, #tpu.memory_space<hbm>>)
    %dma_wait3A_91 = arith.constant 1 : i32
    %dma_wait3A_92 = arith.constant 0 : i32
    %dma_wait3A_93 = arith.constant 1 : i32
    %dma_wait3A_94 = arith.constant 0 : i32
    %dma_wait3A_95 = arith.constant 0 : i32
    %dma_wait3A_96 = tpu.memref_slice %arg7[%dma_wait3A_91, %dma_wait3A_94, %dma_wait3A_95] : memref<3x200x128xf32, #tpu.memory_space<vmem>> -> memref<1x200x128xf32, #tpu.memory_space<vmem>>
    %dma_wait3A_97 = tpu.memref_squeeze %dma_wait3A_96 : memref<1x200x128xf32, #tpu.memory_space<vmem>> -> memref<200x128xf32, #tpu.memory_space<vmem>>
    %dma_wait3A_98 = arith.constant 0 : i32
    %dma_wait3A_99 = arith.constant 0 : i32
    %dma_wait3A_100 = tpu.memref_slice %arg5[%dma_wait3A_92, %dma_wait3A_98, %dma_wait3A_99] : memref<1024x200x128xf32, #tpu.memory_space<hbm>> -> memref<1x200x128xf32, #tpu.memory_space<hbm>>
    %dma_wait3A_101 = tpu.memref_squeeze %dma_wait3A_100 : memref<1x200x128xf32, #tpu.memory_space<hbm>> -> memref<200x128xf32, #tpu.memory_space<hbm>>
    %dma_wait3A_102 = tpu.memref_slice %arg10[%dma_wait3A_93] : memref<3x!tpu.dma_semaphore, #tpu.memory_space<semaphore_mem>> -> memref<1x!tpu.dma_semaphore, #tpu.memory_space<semaphore_mem>>
    %dma_wait3A_103 = tpu.memref_squeeze %dma_wait3A_102 : memref<1x!tpu.dma_semaphore, #tpu.memory_space<semaphore_mem>> -> memref<!tpu.dma_semaphore, #tpu.memory_space<semaphore_mem>>
    %dma_wait3A_104 = arith.constant 0 : i32
    %dma_wait3A_105 = arith.constant 0 : i32
    %dma_wait3A_106 = tpu.memref_slice %arg5[%dma_wait3A_92, %dma_wait3A_104, %dma_wait3A_105] : memref<1024x200x128xf32, #tpu.memory_space<hbm>> -> memref<1x200x128xf32, #tpu.memory_space<hbm>>
    %dma_wait3A_107 = tpu.memref_squeeze %dma_wait3A_106 : memref<1x200x128xf32, #tpu.memory_space<hbm>> -> memref<200x128xf32, #tpu.memory_space<hbm>>
    %dma_wait3A_108 = arith.constant 0 : i32
    %dma_wait3A_109 = arith.constant 0 : i32
    %dma_wait3A_110 = tpu.memref_slice %arg7[%dma_wait3A_91, %dma_wait3A_108, %dma_wait3A_109] : memref<3x200x128xf32, #tpu.memory_space<vmem>> -> memref<1x200x128xf32, #tpu.memory_space<vmem>>
    %dma_wait3A_111 = tpu.memref_squeeze %dma_wait3A_110 : memref<1x200x128xf32, #tpu.memory_space<vmem>> -> memref<200x128xf32, #tpu.memory_space<vmem>>
    tpu.wait_dma2 semaphore(%dma_wait3A_103 : memref<!tpu.dma_semaphore, #tpu.memory_space<semaphore_mem>>) src(%dma_wait3A_111 : memref<200x128xf32, #tpu.memory_space<vmem>>) dst(%dma_wait3A_107 : memref<200x128xf32, #tpu.memory_space<hbm>>)
    %dma_wait3A_112 = arith.constant 2 : i32
    %dma_wait3A_113 = arith.constant 0 : i32
    %dma_wait3A_114 = arith.constant 2 : i32
    %dma_wait3A_115 = arith.constant 0 : i32
    %dma_wait3A_116 = arith.constant 0 : i32
    %dma_wait3A_117 = tpu.memref_slice %arg7[%dma_wait3A_112, %dma_wait3A_115, %dma_wait3A_116] : memref<3x200x128xf32, #tpu.memory_space<vmem>> -> memref<1x200x128xf32, #tpu.memory_space<vmem>>
    %dma_wait3A_118 = tpu.memref_squeeze %dma_wait3A_117 : memref<1x200x128xf32, #tpu.memory_space<vmem>> -> memref<200x128xf32, #tpu.memory_space<vmem>>
    %dma_wait3A_119 = arith.constant 0 : i32
    %dma_wait3A_120 = arith.constant 0 : i32
    %dma_wait3A_121 = tpu.memref_slice %arg5[%dma_wait3A_113, %dma_wait3A_119, %dma_wait3A_120] : memref<1024x200x128xf32, #tpu.memory_space<hbm>> -> memref<1x200x128xf32, #tpu.memory_space<hbm>>
    %dma_wait3A_122 = tpu.memref_squeeze %dma_wait3A_121 : memref<1x200x128xf32, #tpu.memory_space<hbm>> -> memref<200x128xf32, #tpu.memory_space<hbm>>
    %dma_wait3A_123 = tpu.memref_slice %arg10[%dma_wait3A_114] : memref<3x!tpu.dma_semaphore, #tpu.memory_space<semaphore_mem>> -> memref<1x!tpu.dma_semaphore, #tpu.memory_space<semaphore_mem>>
    %dma_wait3A_124 = tpu.memref_squeeze %dma_wait3A_123 : memref<1x!tpu.dma_semaphore, #tpu.memory_space<semaphore_mem>> -> memref<!tpu.dma_semaphore, #tpu.memory_space<semaphore_mem>>
    %dma_wait3A_125 = arith.constant 0 : i32
    %dma_wait3A_126 = arith.constant 0 : i32
    %dma_wait3A_127 = tpu.memref_slice %arg5[%dma_wait3A_113, %dma_wait3A_125, %dma_wait3A_126] : memref<1024x200x128xf32, #tpu.memory_space<hbm>> -> memref<1x200x128xf32, #tpu.memory_space<hbm>>
    %dma_wait3A_128 = tpu.memref_squeeze %dma_wait3A_127 : memref<1x200x128xf32, #tpu.memory_space<hbm>> -> memref<200x128xf32, #tpu.memory_space<hbm>>
    %dma_wait3A_129 = arith.constant 0 : i32
    %dma_wait3A_130 = arith.constant 0 : i32
    %dma_wait3A_131 = tpu.memref_slice %arg7[%dma_wait3A_112, %dma_wait3A_129, %dma_wait3A_130] : memref<3x200x128xf32, #tpu.memory_space<vmem>> -> memref<1x200x128xf32, #tpu.memory_space<vmem>>
    %dma_wait3A_132 = tpu.memref_squeeze %dma_wait3A_131 : memref<1x200x128xf32, #tpu.memory_space<vmem>> -> memref<200x128xf32, #tpu.memory_space<vmem>>
    tpu.wait_dma2 semaphore(%dma_wait3A_124 : memref<!tpu.dma_semaphore, #tpu.memory_space<semaphore_mem>>) src(%dma_wait3A_132 : memref<200x128xf32, #tpu.memory_space<vmem>>) dst(%dma_wait3A_128 : memref<200x128xf32, #tpu.memory_space<hbm>>)
    return
  }
}

</mosaic_0001>

<sc_bundles>
// kernel: kernel.3.cloned.1.call-start
scs
__scs_entry_jumppad:
0x0: {  	(pc) =	sbr.rel $0x88, $3  }
0x1: {  	(tag) =	ssettag $0x0;
	lr =	simm.s32 $0x1  }
0x2: {  	[smem:$0x3F9F] =	sst lr;
	_ =	strace $0xD0000000  }
0x3: {  	_ = 	snop  }
0x4: {  	_ = 	snop  }
0x5: {  	_ = 	snop  }
0x6: {  	_ = 	snop  }
0x7: {  	_ = 	snop  }
__scs_overlays_trampoline_lowered:
0x8: {  	[smem:$0x3FAE] =	sst s0  }
0x9: {  	[smem:$0x3FAF] =	sst s1  }
0xa: {  	[smem:$0x3FB0] =	sst s2  }
0xb: {  	[smem:$0x3FB1] =	sst s3  }
0xc: {  	[smem:$0x3FB2] =	sst s4  }
0xd: {  	[smem:$0x3FB3] =	sst s5  }
0xe: {  	[smem:$0x3FB4] =	sst s6  }
0xf: {  	[smem:$0x3FB5] =	sst s7  }
0x10: {  	[smem:$0x3FB6] =	sst s8  }
0x11: {  	[smem:$0x3FB7] =	sst s9;
	s0 =	simm.s32 @!p0 $0x0  }
0x12: {  	s1 =	sld [smem:$0x3F9D];
	s0 =	simm.s32 @p0 $0x1  }
0x13: {  	[smem:$0x3FB8] =	sst s0;
	s0 =	simm.s32 @!p1 $0x0  }
0x14: {  	s2 =	sld [smem:$0x3F9C];
	s0 =	simm.s32 @p1 $0x1  }
0x15: {  	[smem:$0x3FB9] =	sst s0;
	s0 =	simm.s32 @!p2 $0x0  }
0x16: {  	s3 =	sld [smem:$0x3FDB];
	s0 =	simm.s32 @p2 $0x1  }
0x17: {  	s4 =	simm.s32 $0x1BF5;
	[smem:$0x3FBB] =	sst s0  }
0x18: {  	s0 =	sld [smem:$0x3F9E];
	_ =	swait.ge [sflag:s4], $0x0  }
0x19: {  	s7 =	sld [smem:$0x3F9F]  }
0x1a: {  	s8 =	sadd.s32 $0xFFFFE003, lr  }
0x1b: {  	s9 =	sadd.s32 $0xFFFFFEF7, lr;
	s5 =	simm.s32 $0xFFFFFFFF;
	p2 =	slt.u32 s8, $0xFFFFF086  }
0x1c: {  	p1 =	slt.u32 s9, $0xF7A;
	s5 =	simm.s32 @!p2 $0x0  }
0x1d: {  	s5 =	simm.s32 @p1 $0x1;
	p0 =	seq.s32 s7, s2  }
0x1e: {  	s7 =	smul.u32 @!p0 $0xF7A, s2;
	p2 =	seq.s32 @!p0 s5, $0x0  }
0x1f: {  	s9 =	smul.u32 $0xF7A, s1;
	s8 =	simm.s32 @!p0 $0x1BF5;
	p2 =	por !p2, p0  }
0x20: {  	[sflag:s8] =	ssyncset.s32 @!p0 $0xFFFFF086;
	s6 =	sadd.s32 @!p0 s3, s7;
	s7 =	simm.s32 @!p0 $0x108  }
0x21: {  	s3 =	sadd.s32 s3, s9;
	s6 =	sadd.s32 @!p0 $0x88, s6;
	s7 =	simm.s32 @p2 $0x1082  }
0x22: {  	[simem:s7], [sflag:s8] =	dma.local @!p0 [hbm:s6], $0xF7A  }
0x23: {  	s9 =	sor.u32 $0xD0000000, s2;
	s6 =	simm.s32 $0x108;
	_ =	swait.ge @!p0 [sflag:s8], $0x0  }
0x24: {  	s3 =	sadd.s32 $0x88, s3;
	s6 =	simm.s32 @!p1 $0x1082;
	[sflag:s4] =	ssyncset.s32 $0xFFFFF086  }
0x25: {  	[simem:s6], [sflag:s4] =	dma.local [hbm:s3], $0xF7A  }
0x26: {  	[smem:$0x3F9F] =	sst s1;
	(tag) =	ssettag s2;
	_ =	strace s9  }
0x27: {  	s1 =	sld [smem:$0x3FAF]  }
0x28: {  	s2 =	sld [smem:$0x3FB0]  }
0x29: {  	s4 =	sld [smem:$0x3FB2]  }
0x2a: {  	p0 =	seq.s32 s5, $0x0;
	s5 =	sld [smem:$0x3FB3]  }
0x2b: {  	s6 =	sld [smem:$0x3FB4]  }
0x2c: {  	s7 =	sld [smem:$0x3FB5]  }
0x2d: {  	s3 =	simm.s32 $0x108;
	s8 =	sld [smem:$0x3FB6]  }
0x2e: {  	s3 =	simm.s32 @!p0 $0x1082;
	s9 =	sld [smem:$0x3FB7]  }
0x2f: {  	lr =	sadd.s32 s0, s3;
	s0 =	sld [smem:$0x3FAE]  }
0x30: {  	s3 =	sld [smem:$0x3FB1]  }
0x31: {  	[smem:$0x3FBA] =	sst s10  }
0x32: {  	s10 =	sld [smem:$0x3FB8];
	_ =	sdelay $0x3  }
0x33: {  	p0 =	seq.s32 s10, $0x1;
	s10 =	sld [smem:$0x3FBA];
	_ =	sdelay $0x3  }
0x34: {  	[smem:$0x3FBA] =	sst s10  }
0x35: {  	s10 =	sld [smem:$0x3FB9];
	_ =	sdelay $0x3  }
0x36: {  	p1 =	seq.s32 s10, $0x1;
	s10 =	sld [smem:$0x3FBA];
	_ =	sdelay $0x3  }
0x37: {  	[smem:$0x3FBA] =	sst s10  }
0x38: {  	s10 =	sld [smem:$0x3FBB]  }
0x39: {  	_ = 	snop;
	(pc) =	sbr.ind lr, $3  }
0x3a: {  	_ = 	snop  }
0x3b: {  	_ = 	snop  }
0x3c: {  	p2 =	seq.s32 s10, $0x1;
	s10 =	sld [smem:$0x3FBA]  }
0x3d: {  	_ =	shalt  }
0x3e: {  	_ =	shalt  }
0x3f: {  	_ =	shalt  }
0x40: {  	_ =	shalt  }
0x41: {  	_ =	shalt  }
0x42: {  	_ =	shalt  }
0x43: {  	_ =	shalt  }
0x44: {  	_ =	shalt  }
0x45: {  	_ =	shalt  }
0x46: {  	_ =	shalt  }
0x47: {  	_ =	shalt  }
0x48: {  	_ =	shalt  }
0x49: {  	_ =	shalt  }
0x4a: {  	_ =	shalt  }
0x4b: {  	_ =	shalt  }
0x4c: {  	_ =	shalt  }
0x4d: {  	_ =	shalt  }
0x4e: {  	_ =	shalt  }
0x4f: {  	_ =	shalt  }
0x50: {  	_ =	shalt  }
0x51: {  	_ =	shalt  }
0x52: {  	_ =	shalt  }
0x53: {  	_ =	shalt  }
0x54: {  	_ =	shalt  }
0x55: {  	_ =	shalt  }
0x56: {  	_ =	shalt  }
0x57: {  	_ =	shalt  }
0x58: {  	_ =	shalt  }
0x59: {  	_ =	shalt  }
0x5a: {  	_ =	shalt  }
0x5b: {  	_ =	shalt  }
0x5c: {  	_ =	shalt  }
0x5d: {  	_ =	shalt  }
0x5e: {  	_ =	shalt  }
0x5f: {  	_ =	shalt  }
0x60: {  	_ =	shalt  }
0x61: {  	_ =	shalt  }
0x62: {  	_ =	shalt  }
0x63: {  	_ =	shalt  }
0x64: {  	_ =	shalt  }
0x65: {  	_ =	shalt  }
0x66: {  	_ =	shalt  }
0x67: {  	_ =	shalt  }
0x68: {  	_ =	shalt  }
0x69: {  	_ =	shalt  }
0x6a: {  	_ =	shalt  }
0x6b: {  	_ =	shalt  }
0x6c: {  	_ =	shalt  }
0x6d: {  	_ =	shalt  }
0x6e: {  	_ =	shalt  }
0x6f: {  	_ =	shalt  }
0x70: {  	_ =	shalt  }
0x71: {  	_ =	shalt  }
0x72: {  	_ =	shalt  }
0x73: {  	_ =	shalt  }
0x74: {  	_ =	shalt  }
0x75: {  	_ =	shalt  }
0x76: {  	_ =	shalt  }
0x77: {  	_ =	shalt  }
0x78: {  	_ =	shalt  }
0x79: {  	_ =	shalt  }
0x7a: {  	_ =	shalt  }
0x7b: {  	_ =	shalt  }
0x7c: {  	_ =	shalt  }
0x7d: {  	_ =	shalt  }
0x7e: {  	_ =	shalt  }
0x7f: {  	_ =	shalt  }
0x80: {  	_ =	shalt  }
0x81: {  	_ =	shalt  }
0x82: {  	_ =	shalt  }
0x83: {  	_ =	shalt  }
0x84: {  	_ =	shalt  }
0x85: {  	_ =	shalt  }
0x86: {  	_ =	shalt  }
0x87: {  	_ =	shalt  }
.Lfunc_end0:
.L_simem_size_0:
called_computation_lowered:
.L_overlay_start_0:
0x88: {  	s2 =	sld [smem:$0x3FD9]  }
0x89: {  	s3 =	sld [smem:$0x3FFE];
	_ =	sdelay $0x1  }
0x8a: {  	s1 =	srdreg.scid  }
0x8b: {  	s0 =	sand.u32 $0x1, s1  }
0x8c: {  	s17 =	sshll.u32 s0, $0xA;
	s2 =	sadd.s32 s3, s2  }
0x8d: {  	s2 =	sadd.s32 s2, s17  }
0x8e: {  	[smem:$0x3FC6] =	sst s2  }
0x8f: {  	_ = 	snop  }
0x90: {  	s2 =	sld [smem:$0x3FC8]  }
0x91: {  	s18 =	sld [smem:$0x3FD0];
	(tm) =	ssettm $0x1  }
0x92: {  	s4 =	sld [smem:$0x3FFB];
	_ =	sdelay $0x3  }
0x93: {  	_ =	strace s4  }
0x94: {  	s4 =	sld [smem:$0x3FFC];
	_ =	sdelay $0x3  }
0x95: {  	_ =	strace s4  }
0x96: {  	s4 =	sld [smem:$0x3FFD];
	_ =	sdelay $0x3  }
0x97: {  	_ =	strace s4  }
0x98: {  	_ =	strace $0x8FFFFFFF  }
0x99: {  	s19 =	sld [smem:$0x3FDB];
	_ =	sdelay $0x1  }
0x9a: {  	s5 =	simm.s32 $_scs_section_size  }
0x9b: {  	s6 =	simm.s32 $_size__tile_overlayer_lowered;
	s7 =	simm.s32 $_tile_overlayer_lowered  }
0x9c: {  	s22 =	simm.s32 $0x1BFF;
	s21 =	sshll.u32 s7, $0x1;
	s4 =	sadd.s32 s5, s19  }
0x9d: {  	s8 =	simm.s32 $0x0;
	s20 =	sshll.u32 s6, $0x1;
	s6 =	sadd.s32 s21, s4  }
0x9e: {  	[timem:s8], [sflag:s22] =	dma.local [hbm:s6], s20  }
0x9f: {  	_ =	swait.ge [sflag:s22], s20  }
0xa0: {  	s5 =	ssub.s32 $0x0, s20;
	[sflag:s22] =	ssyncset.done $0x0  }
0xa1: {  	[sflag:s22] =	ssyncadd.s32 s5;
	_ =	sdelay $0x1  }
0xa2: {  	s23 =	simm.s32 $0x1B8B  }
0xa3: {  	_ =	swait.ge [sflag:s23], $0x1  }
0xa4: {  	[sflag:s23] =	ssyncset.done $0x0  }
0xa5: {  	s25 =	simm.s32 $0x1B8E;
	s24 =	sld [smem:$0x3FFE];
	[sflag:s23] =	ssyncadd.s32 $0xFFFFFFFF  }
0xa6: {  	s26 =	simm.s32 $execute0_lowered;
	[smem:$0x3FD2] =	sst s25  }
0xa7: {  	s6 =	sshll.u32 s26, $0x1;
	_ =	strace $0x80000046;
	[dreg:$0x1] =	wrdreg $0xFFFFFFFF  }
0xa8: {  	s28 =	simm.s32 $_size_execute0_lowered;
	s4 =	sadd.s32 s4, s6;
	[dreg:$0x0] =	wrdreg $0x0  }
0xa9: {  	s6 =	sshll.u32 s28, $0x1;
	[dreg:$0x2] =	wrdreg s4  }
0xaa: {  	[dreg:$0x3] =	wrdreg s6  }
0xab: {  	[dreg:$0x4] =	wrdreg $0xC0  }
0xac: {  	_ =	task [dreg:s8], $0x5FFFF  }
0xad: {  	[dreg:$0x1] =	wrdreg $0xFFFFFFFF  }
0xae: {  	[dreg:$0x0] =	wrdreg $0x60  }
0xaf: {  	[dreg:$0x2] =	wrdreg s2  }
0xb0: {  	[dreg:$0x3] =	wrdreg s24  }
0xb1: {  	[dreg:$0x4] =	wrdreg s18  }
0xb2: {  	[dreg:$0x5] =	wrdreg $0x9  }
0xb3: {  	_ =	task.clear_ibuf [dreg:s8], $0x6FFFF;
	_ =	strace $0x90000046  }
0xb4: {  	s29 =	simm.s32 $0x9;
	_ =	strace $0x80000048  }
0xb5: {  	_ =	swait.ge [sflag:s29], $0x1  }
0xb6: {  	[sflag:s29] =	ssyncadd.s32 $0xFFFFFFFF  }
0xb7: {  	_ =	strace $0x90000048  }
0xb8: {  	_ =	sfence  }
0xb9: {  	s30 =	sld [smem:$0x0];
	_ =	sdelay $0x2  }
0xba: {  	s31 =	sshll.u32 s1, $0xD;
	s1 =	sshrl.u32 s1, $0x2  }
0xbb: {  	s3 =	sand.u32 $0x4000, s31;
	s1 =	sadd.s32 s1, s30  }
0xbc: {  	s0 =	sor.u32 s3, s0;
	s1 =	sshll.u32 s1, $0x11  }
0xbd: {  	s0 =	sor.u32 s1, s0  }
0xbe: {  	s0 =	sadd.s32 $0x8F2B, s0  }
0xbf: {  	[sflag:s0] =	ssyncadd.remote.s32 $0x1  }
0xc0: {  	_ =	sfence.sel $0xFFFF  }
0xc1: {  	[dreg:$0x0] =	wrdreg $0xFFFFFFFF;
	(pc) =	sbr.abs _section_cstart, $3  }
0xc2: {  	[dreg:$0x1] =	wrdreg $0xFFFFFFFF  }
0xc3: {  	_ =	task.clear_ibuf [dreg:s8], $0x2FFFF;
	_ =	strace $0x9FFFFFFF  }
0xc4: {  	(tm) =	ssettm $0x7FFFFFFF  }
0xc5: {  	_ =	shalt  }
tec
execute0_lowered:
.L_overlay_start_1:
0x0: {  	(tag) =	ssettag $0x1  }
0x1: {  	s1 =	rddreg [dreg:$0x0];
	s2 =	srdreg.scid  }
0x2: {  	s8 =	rddreg [dreg:$0x1];
	s0 =	stileid.u32  }
0x3: {  	s3 =	rddreg [dreg:$0x2];
	s4 =	simm.s32 $0x0;
	s11 =	simm.s32 $0x64  }
0x4: {  	s12 =	simm.s32 $0x80;
	s13 =	simm.s32 $0x3500;
	s14 =	simm.s32 $0x100  }
0x5: {  	s15 =	simm.s32 $0x6700;
	s16 =	simm.s32 $0x180;
	s17 =	simm.s32 $0x9900  }
0x6: {  	s18 =	simm.s32 $0x12F00;
	s19 =	simm.s32 $0x4;
	s20 =	simm.s32 $0x5  }
0x7: {  	s21 =	simm.s32 $0x6;
	s22 =	simm.s32 $0x0;
	s6 =	sand.u32 $0x1, s2  }
0x8: {  	s5 =	sshll.u32 s0, $0x6;
	[smem:$0x7FF] =	sst s4;
	s7 =	sshll.u32 s6, $0x5  }
0x9: {  	s9 =	ssub.s32 $0x2, s6;
	_ =	strace $0x80000047;
	s5 =	sor.u32 s7, s5  }
0xa: {  	s6 =	sadd.s32 $0x8400, s8;
	s10 =	sshrl.u32 s9, $0x1;
	s7 =	sshll.u32 s5, $0x5  }
0xb: {  	s9 =	ssub.s32 s9, s10;
	s10 =	simm.s32 $0xA;
	s7 =	sadd.s32 s7, s8  }
0xc: {  	s8 =	sadd.s32 $0x460, s8;
	s9 =	smax.u32 s9, $0x1;
	s7 =	sadd.s32 $0x400, s7  }
.LBB2_1:
0xd: {  	[tilespmem:s4], [sflag:$0xA] =	stream.linear.gather [hbm4b:s7+s4], $0x300, $0x38;
	[tilespmem:$0x1F700] =	vst v63  }
0xe: {  	_ =	swait.ge [sflag:s10], $0x300  }
0xf: {  	[sflag:s10] =	ssyncset.done $0x0  }
0x10: {  	s23 =	simm.s32 $0x300;
	[sflag:s10] =	ssyncadd.s32 $0xFFFFFD00  }
0x11: {  	[tilespmem:s23], [sflag:$0x1] =	stream.indirect.gather [hbm4b:s1+s11], $0x80, s4, s11, $0xb8;
	[tilespmem:$0x1F700] =	vst v63  }
0x12: {  	_ = 	snop  }
0x13: {  	[tilespmem:s13], [sflag:$0x1] =	stream.indirect.gather [hbm4b:s1+s11], $0x80, s12, s11, $0xb8;
	[tilespmem:$0x1F700] =	vst v63  }
0x14: {  	_ = 	snop  }
0x15: {  	[tilespmem:s15], [sflag:$0x2] =	stream.indirect.gather [hbm4b:s1+s11], $0x80, s14, s11, $0xb8;
	[tilespmem:$0x1F700] =	vst v63  }
0x16: {  	_ = 	snop  }
0x17: {  	[tilespmem:s17], [sflag:$0x2] =	stream.indirect.gather [hbm4b:s1+s11], $0x80, s16, s11, $0xb8;
	[tilespmem:$0x1F700] =	vst v63  }
0x18: {  	_ = 	snop  }
0x19: {  	[tilespmem:s18], [sflag:$0xA] =	stream.linear.gather [hbm4b:s6+s4], $0xC800, $0x38;
	[tilespmem:$0x1F700] =	vst v63  }
0x1a: {  	_ =	swait.ge [sflag:s10], $0xC800  }
0x1b: {  	[sflag:s10] =	ssyncset.done $0x0  }
0x1c: {  	s24 =	simm.s32 $0x0;
	[sflag:s10] =	ssyncadd.s32 $0xFFFF3800  }
.LBB2_2:
0x1d: {  	s25 =	smul.u32 $0xAB, s24;
	_ =	sdelay $0x1  }
0x1e: {  	s25 =	sshrl.u32 s25, $0x9  }
0x1f: {  	s25 =	sand.u32 $0x7F, s25  }
0x20: {  	s25 =	smul.u32 $0x3, s25;
	_ =	sdelay $0x1  }
0x21: {  	s25 =	ssub.s32 s24, s25  }
0x22: {  	s26 =	smulhi.u32 $0xAAAAAAAB, s24;
	s25 =	sand.u32 $0xFF, s25  }
0x23: {  	s28 =	sadd.s32 $0x1, s25  }
0x24: {  	s26 =	sshrl.u32 s26, $0x1;
	_ =	swait.ge [sflag:s28], $0x3200  }
0x25: {  	s26 =	smul.u32 $0xFFFB5000, s26;
	[sflag:s28] =	ssyncset.done $0x0  }
0x26: {  	[sflag:s28] =	ssyncadd.s32 $0xFFFFCE00  }
0x27: {  	p0 =	sgt.u32 s24, $0x1C;
	s26 =	sshra.s32 s26, $0x2;
	_ =	swait.ge [sflag:s28], $0x3200  }
0x28: {  	s29 =	sor.u32 @!p0 s5, s24;
	s26 =	sadd.s32 s26, s23;
	[sflag:s28] =	ssyncset.done $0x0  }
0x29: {  	s30 =	simm.s32 @!p0 $0x0;
	v0 =	vmov s26;
	[sflag:s28] =	ssyncadd.s32 $0xFFFFCE00;
	s28 =	sshll.u32 @!p0 s29, $0x5  }
0x2a: {  	s26 =	sadd.s32 @!p0 $0x7, s25;
	s29 =	sshll.u32 @!p0 s25, $0x8;
	s28 =	sadd.s32 @!p0 s28, s8  }
0x2b: {  	[tilespmem:s29], [sflag:s26] =	stream.linear.gather @!p0 [hbm4b:s28+s30], $0x100, $0x38;
	[tilespmem:$0x1F700] =	vst v63  }
0x2c: {  	s26 =	simm.s32 $0x0  }
0x2d: {  	v1 =	vld [tilespmem:s26+$0x13080]  }
0x2e: {  	v2 =	vld.idx.msk [tilespmem:v0+s26+$0x180 ss:$0x1], $0xffff  }
0x2f: {  	v3 =	vld.idx.msk [tilespmem:v0+s26+$0x1C0 ss:$0x1], $0xffff  }
0x30: {  	v4 =	vld [tilespmem:s26+$0x19480]  }
0x31: {  	v5 =	vld.idx.msk [tilespmem:v0+s26+$0x0 ss:$0x1], $0xffff  }
0x32: {  	v6 =	vld.idx.msk [tilespmem:v0+s26+$0x40 ss:$0x1], $0xffff  }
0x33: {  	v7 =	vld.idx.msk [tilespmem:v0+s26+$0x80 ss:$0x1], $0xffff  }
0x34: {  	v10 =	vld.idx.msk [tilespmem:v0+s26+$0xC0 ss:$0x1], $0xffff  }
0x35: {  	s28 =	simm.s32 $0x200;
	v15 =	vld.idx.msk [tilespmem:v0+s26+$0x140 ss:$0x1], $0xffff  }
0x36: {  	v45 =	vld.idx.msk [tilespmem:v0+s28+$0x180 ss:$0x1], $0xffff  }
0x37: {  	v17 =	vld.idx.msk [tilespmem:v0+s28+$0x1C0 ss:$0x1], $0xffff  }
0x38: {  	v18 =	vld [tilespmem:s28+$0x19480]  }
0x39: {  	v19 =	vld.idx.msk [tilespmem:v0+s28+$0x0 ss:$0x1], $0xffff  }
0x3a: {  	v20 =	vld.idx.msk [tilespmem:v0+s28+$0x40 ss:$0x1], $0xffff  }
0x3b: {  	v21 =	vld.idx.msk [tilespmem:v0+s28+$0x80 ss:$0x1], $0xffff;
	v8 =	vmul.f32 v1, v2;
	v9 =	vmul.f32 v4, v3  }
0x3c: {  	v22 =	vld.idx.msk [tilespmem:v0+s28+$0xC0 ss:$0x1], $0xffff;
	v1 =	vmul.f32 v1, v3;
	v2 =	vmul.f32 v4, v2  }
0x3d: {  	v3 =	vld [tilespmem:s26+$0x12F00];
	v4 =	vsub.f32 v8, v9  }
0x3e: {  	v8 =	vld [tilespmem:s26+$0x19300];
	v1 =	vadd.f32 v2, v1  }
0x3f: {  	v2 =	vld [tilespmem:s26+$0x12F80];
	[tilespmem:v0+s26+$0x180 ss:$0x1] =	vst.idx.msk $0xffff, v4  }
0x40: {  	v4 =	vld [tilespmem:s26+$0x19380];
	[tilespmem:v0+s26+$0x1C0 ss:$0x1] =	vst.idx.msk $0xffff, v1  }
0x41: {  	v1 =	vld [tilespmem:s26+$0x13090]  }
0x42: {  	v9 =	vld.idx.msk [tilespmem:v0+s26+$0x190 ss:$0x1], $0xffff  }
0x43: {  	v11 =	vmul.f32 v3, v5;
	v13 =	vld.idx.msk [tilespmem:v0+s26+$0x1D0 ss:$0x1], $0xffff;
	v12 =	vmul.f32 v8, v6  }
0x44: {  	v3 =	vmul.f32 v3, v6;
	v5 =	vmul.f32 v8, v5;
	v6 =	vld [tilespmem:s26+$0x19490]  }
0x45: {  	v23 =	vld.idx.msk [tilespmem:v0+s28+$0x100 ss:$0x1], $0xffff;
	v14 =	vmul.f32 v2, v7;
	v11 =	vsub.f32 v11, v12;
	v12 =	vmul.f32 v4, v10  }
0x46: {  	v8 =	vld.idx.msk [tilespmem:v0+s26+$0x100 ss:$0x1], $0xffff;
	v2 =	vmul.f32 v2, v10;
	v4 =	vmul.f32 v4, v7;
	v3 =	vadd.f32 v5, v3  }
0x47: {  	v5 =	vld [tilespmem:s26+$0x13000];
	[tilespmem:v0+s26+$0x0 ss:$0x1] =	vst.idx.msk $0xffff, v11;
	v7 =	vsub.f32 v14, v12  }
0x48: {  	v10 =	vld [tilespmem:s26+$0x19400];
	v2 =	vadd.f32 v4, v2;
	[tilespmem:v0+s26+$0x40 ss:$0x1] =	vst.idx.msk $0xffff, v3  }
0x49: {  	v4 =	vmul.f32 v1, v9;
	v3 =	vld.idx.msk [tilespmem:v0+s26+$0x10 ss:$0x1], $0xffff;
	[tilespmem:v0+s26+$0x80 ss:$0x1] =	vst.idx.msk $0xffff, v7;
	v7 =	vmul.f32 v6, v13  }
0x4a: {  	v1 =	vmul.f32 v1, v13;
	v11 =	vld.idx.msk [tilespmem:v0+s26+$0x50 ss:$0x1], $0xffff;
	[tilespmem:v0+s26+$0xC0 ss:$0x1] =	vst.idx.msk $0xffff, v2;
	v2 =	vmul.f32 v6, v9  }
0x4b: {  	v6 =	vld.idx.msk [tilespmem:v0+s26+$0x90 ss:$0x1], $0xffff;
	v4 =	vsub.f32 v4, v7  }
0x4c: {  	v7 =	vld.idx.msk [tilespmem:v0+s26+$0xD0 ss:$0x1], $0xffff;
	v1 =	vadd.f32 v2, v1  }
0x4d: {  	v2 =	vld [tilespmem:s26+$0x12F10];
	[tilespmem:v0+s26+$0x190 ss:$0x1] =	vst.idx.msk $0xffff, v4  }
0x4e: {  	v4 =	vld [tilespmem:s26+$0x19310];
	[tilespmem:v0+s26+$0x1D0 ss:$0x1] =	vst.idx.msk $0xffff, v1  }
0x4f: {  	v9 =	vmul.f32 v10, v15;
	v1 =	vmul.f32 v5, v8;
	v12 =	vld [tilespmem:s26+$0x130A0]  }
0x50: {  	v5 =	vmul.f32 v5, v15;
	v8 =	vmul.f32 v10, v8;
	v10 =	vld.idx.msk [tilespmem:v0+s26+$0x1A0 ss:$0x1], $0xffff  }
0x51: {  	v1 =	vsub.f32 v1, v9;
	v9 =	vld.idx.msk [tilespmem:v0+s26+$0x1E0 ss:$0x1], $0xffff  }
0x52: {  	v5 =	vadd.f32 v8, v5;
	v8 =	vld [tilespmem:s26+$0x194A0]  }
0x53: {  	v14 =	vld [tilespmem:s26+$0x12F90];
	[tilespmem:v0+s26+$0x100 ss:$0x1] =	vst.idx.msk $0xffff, v1;
	v1 =	vmul.f32 v2, v3  }
0x54: {  	v13 =	vmul.f32 v4, v11;
	v3 =	vmul.f32 v4, v3;
	v4 =	vld [tilespmem:s26+$0x19390]  }
0x55: {  	v26 =	vld.idx.msk [tilespmem:v0+s28+$0x140 ss:$0x1], $0xffff;
	v2 =	vmul.f32 v2, v11  }
0x56: {  	v46 =	vld [tilespmem:s28+$0x12F00];
	[tilespmem:v0+s26+$0x140 ss:$0x1] =	vst.idx.msk $0xffff, v5;
	v1 =	vsub.f32 v1, v13  }
0x57: {  	v5 =	vld.idx.msk [tilespmem:v0+s26+$0x110 ss:$0x1], $0xffff;
	v2 =	vadd.f32 v3, v2;
	v3 =	vmul.f32 v12, v10;
	v11 =	vmul.f32 v8, v9  }
0x58: {  	v13 =	vld.idx.msk [tilespmem:v0+s26+$0x150 ss:$0x1], $0xffff;
	v8 =	vmul.f32 v8, v10;
	v10 =	vmul.f32 v14, v6  }
0x59: {  	[tilespmem:v0+s26+$0x10 ss:$0x1] =	vst.idx.msk $0xffff, v1;
	v1 =	vld [tilespmem:s26+$0x13010];
	v3 =	vsub.f32 v3, v11;
	v11 =	vmul.f32 v4, v7  }
0x5a: {  	[tilespmem:v0+s26+$0x50 ss:$0x1] =	vst.idx.msk $0xffff, v2;
	v2 =	vld [tilespmem:s26+$0x19410];
	v7 =	vmul.f32 v14, v7;
	v4 =	vmul.f32 v4, v6  }
0x5b: {  	v9 =	vmul.f32 v12, v9;
	v15 =	vld.idx.msk [tilespmem:v0+s26+$0x20 ss:$0x1], $0xffff;
	[tilespmem:v0+s26+$0x1A0 ss:$0x1] =	vst.idx.msk $0xffff, v3;
	v3 =	vsub.f32 v10, v11  }
0x5c: {  	v16 =	vld.idx.msk [tilespmem:v0+s26+$0x60 ss:$0x1], $0xffff;
	v4 =	vadd.f32 v4, v7  }
0x5d: {  	v8 =	vadd.f32 v8, v9;
	v9 =	vld [tilespmem:s26+$0x12F20];
	[tilespmem:v0+s26+$0x90 ss:$0x1] =	vst.idx.msk $0xffff, v3  }
0x5e: {  	v14 =	vld [tilespmem:s26+$0x19320];
	[tilespmem:v0+s26+$0xD0 ss:$0x1] =	vst.idx.msk $0xffff, v4  }
0x5f: {  	v3 =	vmul.f32 v1, v5;
	v4 =	vmul.f32 v2, v13;
	v7 =	vld.idx.msk [tilespmem:v0+s26+$0xA0 ss:$0x1], $0xffff  }
0x60: {  	v1 =	vmul.f32 v1, v13;
	v2 =	vmul.f32 v2, v5;
	v5 =	vld.idx.msk [tilespmem:v0+s26+$0xE0 ss:$0x1], $0xffff  }
0x61: {  	v3 =	vsub.f32 v3, v4;
	v4 =	vld [tilespmem:s26+$0x12FA0]  }
0x62: {  	v1 =	vadd.f32 v2, v1;
	v2 =	vld [tilespmem:s26+$0x193A0]  }
0x63: {  	v48 =	vld [tilespmem:s28+$0x19300];
	[tilespmem:v0+s26+$0x1E0 ss:$0x1] =	vst.idx.msk $0xffff, v8;
	v8 =	vmul.f32 v9, v15;
	v13 =	vmul.f32 v14, v16  }
0x64: {  	v27 =	vld [tilespmem:s28+$0x12F80];
	[tilespmem:v0+s26+$0x110 ss:$0x1] =	vst.idx.msk $0xffff, v3;
	v3 =	vmul.f32 v9, v16;
	v9 =	vmul.f32 v14, v15  }
0x65: {  	v56 =	vld [tilespmem:s28+$0x13000];
	[tilespmem:v0+s26+$0x150 ss:$0x1] =	vst.idx.msk $0xffff, v1;
	v1 =	vsub.f32 v8, v13  }
0x66: {  	v13 =	vld.idx.msk [tilespmem:v0+s26+$0x120 ss:$0x1], $0xffff;
	v3 =	vadd.f32 v9, v3  }
0x67: {  	v14 =	vld.idx.msk [tilespmem:v0+s26+$0x160 ss:$0x1], $0xffff;
	[tilespmem:v0+s26+$0x20 ss:$0x1] =	vst.idx.msk $0xffff, v1;
	v1 =	vmul.f32 v4, v7;
	v8 =	vmul.f32 v2, v5  }
0x68: {  	v15 =	vld [tilespmem:s26+$0x13020];
	v4 =	vmul.f32 v4, v5;
	v2 =	vmul.f32 v2, v7  }
0x69: {  	[tilespmem:v0+s26+$0x60 ss:$0x1] =	vst.idx.msk $0xffff, v3;
	v3 =	vld [tilespmem:s26+$0x19420]  }
0x6a: {  	v2 =	vadd.f32 v2, v4;
	v4 =	vld [tilespmem:s28+$0x13080]  }
0x6b: {  	v57 =	vld [tilespmem:s28+$0x19400]  }
0x6c: {  	v11 =	vld [tilespmem:s26+$0x130B0]  }
0x6d: {  	v25 =	vmul.f32 v18, v17;
	v12 =	vld.idx.msk [tilespmem:v0+s26+$0x1B0 ss:$0x1], $0xffff  }
0x6e: {  	v6 =	vld.idx.msk [tilespmem:v0+s26+$0x1F0 ss:$0x1], $0xffff;
	v16 =	vmul.f32 v18, v45;
	v49 =	vmul.f32 v15, v13  }
0x6f: {  	v10 =	vld [tilespmem:s26+$0x194B0];
	v50 =	vmul.f32 v3, v14;
	v24 =	vmul.f32 v4, v45  }
0x70: {  	v3 =	vmul.f32 v3, v13;
	v13 =	vld [tilespmem:s28+$0x19380];
	v4 =	vmul.f32 v4, v17  }
0x71: {  	v5 =	vld.idx.msk [tilespmem:v0+s26+$0x30 ss:$0x1], $0xffff;
	v47 =	vsub.f32 v24, v25  }
0x72: {  	v7 =	vld.idx.msk [tilespmem:v0+s26+$0x70 ss:$0x1], $0xffff;
	v4 =	vadd.f32 v16, v4  }
0x73: {  	v1 =	vsub.f32 v1, v8;
	v8 =	vld [tilespmem:s26+$0x12F30];
	v14 =	vmul.f32 v15, v14;
	[tilespmem:v0+s28+$0x180 ss:$0x1] =	vst.idx.msk $0xffff, v47  }
0x74: {  	v54 =	vmul.f32 v27, v21;
	v9 =	vld [tilespmem:s26+$0x19330];
	[tilespmem:v0+s28+$0x1C0 ss:$0x1] =	vst.idx.msk $0xffff, v4  }
0x75: {  	[tilespmem:v0+s26+$0xA0 ss:$0x1] =	vst.idx.msk $0xffff, v1;
	v3 =	vadd.f32 v3, v14;
	v55 =	vmul.f32 v13, v22;
	v15 =	vld [tilespmem:s28+$0x13090]  }
0x76: {  	v22 =	vmul.f32 v27, v22;
	v13 =	vmul.f32 v13, v21;
	v4 =	vsub.f32 v49, v50;
	v14 =	vld.idx.msk [tilespmem:v0+s28+$0x190 ss:$0x1], $0xffff  }
0x77: {  	v51 =	vmul.f32 v48, v20;
	v52 =	vmul.f32 v48, v19;
	[tilespmem:v0+s26+$0xE0 ss:$0x1] =	vst.idx.msk $0xffff, v2;
	v18 =	vld.idx.msk [tilespmem:v0+s28+$0x1D0 ss:$0x1], $0xffff  }
0x78: {  	v53 =	vld [tilespmem:s28+$0x19490];
	v16 =	vsub.f32 v54, v55;
	v13 =	vadd.f32 v13, v22;
	[tilespmem:v0+s26+$0x120 ss:$0x1] =	vst.idx.msk $0xffff, v4  }
0x79: {  	v1 =	vld.idx.msk [tilespmem:v0+s26+$0xB0 ss:$0x1], $0xffff;
	v4 =	vmul.f32 v46, v19;
	[tilespmem:v0+s26+$0x160 ss:$0x1] =	vst.idx.msk $0xffff, v3;
	v3 =	vmul.f32 v46, v20  }
0x7a: {  	v2 =	vld.idx.msk [tilespmem:v0+s26+$0xF0 ss:$0x1], $0xffff;
	[tilespmem:v0+s28+$0x80 ss:$0x1] =	vst.idx.msk $0xffff, v16  }
0x7b: {  	v4 =	vsub.f32 v4, v51;
	[tilespmem:v0+s28+$0xC0 ss:$0x1] =	vst.idx.msk $0xffff, v13;
	v17 =	vadd.f32 v52, v3;
	v3 =	vld.idx.msk [tilespmem:v0+s26+$0x130 ss:$0x1], $0xffff  }
0x7c: {  	v61 =	vld.idx.msk [tilespmem:v0+s28+$0xD0 ss:$0x1], $0xffff  }
0x7d: {  	v41 =	vld [tilespmem:s28+$0x12F90];
	[tilespmem:v0+s28+$0x0 ss:$0x1] =	vst.idx.msk $0xffff, v4;
	v58 =	vmul.f32 v15, v14;
	v59 =	vmul.f32 v53, v18  }
0x7e: {  	v42 =	vld [tilespmem:s28+$0x19390];
	v13 =	vmul.f32 v15, v18;
	v14 =	vmul.f32 v53, v14;
	[tilespmem:v0+s28+$0x40 ss:$0x1] =	vst.idx.msk $0xffff, v17  }
0x7f: {  	v17 =	vld.idx.msk [tilespmem:v0+s28+$0x10 ss:$0x1], $0xffff;
	v16 =	vsub.f32 v58, v59  }
0x80: {  	v60 =	vld.idx.msk [tilespmem:v0+s28+$0x50 ss:$0x1], $0xffff;
	v13 =	vadd.f32 v14, v13  }
0x81: {  	v62 =	vmul.f32 v57, v26;
	v14 =	vmul.f32 v56, v23;
	v63 =	vld [tilespmem:s28+$0x12F10];
	[tilespmem:v0+s28+$0x190 ss:$0x1] =	vst.idx.msk $0xffff, v16  }
0x82: {  	v31 =	vld [tilespmem:s28+$0x19310];
	[tilespmem:v0+s28+$0x1D0 ss:$0x1] =	vst.idx.msk $0xffff, v13  }
0x83: {  	v30 =	vmul.f32 v56, v26;
	v13 =	vsub.f32 v14, v62;
	v14 =	vld [tilespmem:s28+$0x130A0]  }
0x84: {  	v33 =	vmul.f32 v11, v6;
	v21 =	vmul.f32 v57, v23;
	v32 =	vld.idx.msk [tilespmem:v0+s28+$0x1A0 ss:$0x1], $0xffff  }
0x85: {  	v34 =	vmul.f32 v10, v12;
	v11 =	vmul.f32 v11, v12;
	v35 =	vld [tilespmem:s28+$0x194A0]  }
0x86: {  	v6 =	vmul.f32 v10, v6;
	v16 =	vadd.f32 v21, v30;
	[tilespmem:v0+s28+$0x100 ss:$0x1] =	vst.idx.msk $0xffff, v13;
	v13 =	vld.idx.msk [tilespmem:v0+s28+$0x1E0 ss:$0x1], $0xffff  }
0x87: {  	v4 =	vld.idx.msk [tilespmem:v0+s26+$0x170 ss:$0x1], $0xffff;
	v36 =	vmul.f32 v63, v17;
	v37 =	vmul.f32 v31, v60  }
0x88: {  	v15 =	vld.idx.msk [tilespmem:v0+s28+$0x90 ss:$0x1], $0xffff;
	v20 =	vmul.f32 v63, v60;
	v17 =	vmul.f32 v31, v17;
	[tilespmem:v0+s28+$0x140 ss:$0x1] =	vst.idx.msk $0xffff, v16  }
0x89: {  	v6 =	vsub.f32 v11, v6;
	v38 =	vld.idx.msk [tilespmem:v0+s28+$0x110 ss:$0x1], $0xffff;
	v40 =	vsub.f32 v36, v37  }
0x8a: {  	v21 =	vadd.f32 v34, v33;
	v39 =	vld.idx.msk [tilespmem:v0+s28+$0x150 ss:$0x1], $0xffff;
	v17 =	vadd.f32 v17, v20  }
0x8b: {  	v43 =	vld [tilespmem:s28+$0x13010];
	[tilespmem:v0+s28+$0x10 ss:$0x1] =	vst.idx.msk $0xffff, v40;
	v44 =	vmul.f32 v14, v32;
	v45 =	vmul.f32 v35, v13  }
0x8c: {  	v46 =	vld [tilespmem:s28+$0x19410];
	[tilespmem:v0+s28+$0x50 ss:$0x1] =	vst.idx.msk $0xffff, v17;
	v13 =	vmul.f32 v14, v13;
	v14 =	vmul.f32 v35, v32  }
0x8d: {  	[tilespmem:v0+s26+$0x1F0 ss:$0x1] =	vst.idx.msk $0xffff, v21;
	v48 =	vld.idx.msk [tilespmem:v0+s28+$0x20 ss:$0x1], $0xffff;
	v47 =	vsub.f32 v44, v45  }
0x8e: {  	[tilespmem:v0+s26+$0x1B0 ss:$0x1] =	vst.idx.msk $0xffff, v6;
	v12 =	vld.idx.msk [tilespmem:v0+s28+$0x60 ss:$0x1], $0xffff;
	v13 =	vadd.f32 v14, v13  }
0x8f: {  	v50 =	vmul.f32 v42, v61;
	v49 =	vld [tilespmem:s28+$0x12F20];
	v14 =	vmul.f32 v41, v15;
	[tilespmem:v0+s28+$0x1A0 ss:$0x1] =	vst.idx.msk $0xffff, v47  }
0x90: {  	v18 =	vmul.f32 v41, v61;
	v51 =	vld [tilespmem:s28+$0x19320];
	v15 =	vmul.f32 v42, v15;
	[tilespmem:v0+s28+$0x1E0 ss:$0x1] =	vst.idx.msk $0xffff, v13  }
0x91: {  	v52 =	vmul.f32 v46, v39;
	v14 =	vsub.f32 v14, v50;
	v13 =	vmul.f32 v43, v38;
	v53 =	vld [tilespmem:s28+$0x130B0]  }
0x92: {  	v22 =	vmul.f32 v43, v39;
	v16 =	vmul.f32 v46, v38;
	v15 =	vadd.f32 v15, v18;
	v54 =	vld.idx.msk [tilespmem:v0+s28+$0x1B0 ss:$0x1], $0xffff  }
0x93: {  	[tilespmem:v0+s28+$0x90 ss:$0x1] =	vst.idx.msk $0xffff, v14;
	v10 =	vsub.f32 v13, v52;
	v13 =	vld.idx.msk [tilespmem:v0+s28+$0x1F0 ss:$0x1], $0xffff  }
0x94: {  	v14 =	vadd.f32 v16, v22;
	[tilespmem:v0+s28+$0xD0 ss:$0x1] =	vst.idx.msk $0xffff, v15;
	v15 =	vld [tilespmem:s28+$0x194B0]  }
0x95: {  	v55 =	vmul.f32 v9, v7;
	v11 =	vld.idx.msk [tilespmem:v0+s28+$0xA0 ss:$0x1], $0xffff;
	[tilespmem:v0+s28+$0x110 ss:$0x1] =	vst.idx.msk $0xffff, v10;
	v10 =	vmul.f32 v8, v5  }
0x96: {  	v6 =	vmul.f32 v49, v48;
	v56 =	vld.idx.msk [tilespmem:v0+s28+$0xE0 ss:$0x1], $0xffff;
	[tilespmem:v0+s28+$0x150 ss:$0x1] =	vst.idx.msk $0xffff, v14;
	v14 =	vmul.f32 v51, v12  }
0x97: {  	v7 =	vmul.f32 v8, v7;
	v5 =	vmul.f32 v9, v5;
	v8 =	vld [tilespmem:s28+$0x12FA0];
	v10 =	vsub.f32 v10, v55  }
0x98: {  	v58 =	vmul.f32 v51, v48;
	v12 =	vmul.f32 v49, v12;
	v57 =	vld.idx.msk [tilespmem:v0+s28+$0x120 ss:$0x1], $0xffff;
	v6 =	vsub.f32 v6, v14  }
0x99: {  	v59 =	vld.idx.msk [tilespmem:v0+s28+$0x160 ss:$0x1], $0xffff;
	v5 =	vadd.f32 v5, v7;
	[tilespmem:v0+s26+$0x30 ss:$0x1] =	vst.idx.msk $0xffff, v10  }
0x9a: {  	v9 =	vadd.f32 v58, v12;
	v10 =	vld [tilespmem:s28+$0x193A0];
	[tilespmem:v0+s28+$0x20 ss:$0x1] =	vst.idx.msk $0xffff, v6  }
0x9b: {  	v7 =	vmul.f32 v53, v13;
	v12 =	vmul.f32 v15, v54;
	v6 =	vld [tilespmem:s28+$0x13020];
	[tilespmem:v0+s26+$0x70 ss:$0x1] =	vst.idx.msk $0xffff, v5  }
0x9c: {  	v13 =	vmul.f32 v15, v13;
	v5 =	vmul.f32 v53, v54;
	[tilespmem:v0+s28+$0x60 ss:$0x1] =	vst.idx.msk $0xffff, v9;
	v9 =	vld [tilespmem:s28+$0x19420]  }
0x9d: {  	v7 =	vadd.f32 v12, v7;
	v14 =	vld.idx.msk [tilespmem:v0+s28+$0x70 ss:$0x1], $0xffff  }
0x9e: {  	v12 =	vmul.f32 v8, v11;
	v60 =	vmul.f32 v8, v56;
	v5 =	vsub.f32 v5, v13;
	v13 =	vld [tilespmem:s28+$0x12F30]  }
0x9f: {  	v61 =	vld [tilespmem:s28+$0x19330];
	v8 =	vmul.f32 v10, v56;
	v10 =	vmul.f32 v10, v11  }
0xa0: {  	v15 =	vld.idx.msk [tilespmem:v0+s28+$0x30 ss:$0x1], $0xffff;
	[tilespmem:v0+s28+$0x1F0 ss:$0x1] =	vst.idx.msk $0xffff, v7;
	v7 =	vmul.f32 v6, v57;
	v6 =	vmul.f32 v6, v59  }
0xa1: {  	v11 =	vsub.f32 v12, v8;
	v12 =	vmul.f32 v9, v59;
	v62 =	vmul.f32 v9, v57;
	v8 =	vld [tilespmem:s26+$0x12FB0]  }
0xa2: {  	s29 =	smul.u32 $0x19000, s25;
	[tilespmem:v0+s28+$0x1B0 ss:$0x1] =	vst.idx.msk $0xffff, v5;
	v5 =	vadd.f32 v10, v60;
	v9 =	vld [tilespmem:s26+$0x193B0]  }
0xa3: {  	[tilespmem:v0+s28+$0xA0 ss:$0x1] =	vst.idx.msk $0xffff, v11;
	v63 =	vsub.f32 v7, v12;
	v12 =	vadd.f32 v62, v6;
	v6 =	vld [tilespmem:s26+$0x13030]  }
0xa4: {  	s29 =	sshrl.u32 s29, $0x2;
	v10 =	vmul.f32 v13, v14;
	v14 =	vmul.f32 v61, v14;
	v7 =	vld [tilespmem:s26+$0x19430];
	[tilespmem:v0+s28+$0xE0 ss:$0x1] =	vst.idx.msk $0xffff, v5  }
0xa5: {  	s31 =	simm.s32 $0x1000;
	s30 =	simm.s32 $0x4;
	s29 =	sor.u32 $0x300, s29;
	v11 =	vmul.f32 v13, v15;
	v13 =	vmul.f32 v61, v15;
	v5 =	vld.idx.msk [tilespmem:v0+s28+$0xB0 ss:$0x1], $0xffff;
	[tilespmem:v0+s28+$0x120 ss:$0x1] =	vst.idx.msk $0xffff, v63  }
.LBB2_3:
0xa6: {  	s2 =	sshra.s32 s31, $0x2;
	v15 =	vld.idx.msk [tilespmem:v0+s28+$0xF0 ss:$0x1], $0xffff;
	[tilespmem:v0+s28+$0x160 ss:$0x1] =	vst.idx.msk $0xffff, v12;
	v12 =	vmul.f32 v8, v1;
	v8 =	vmul.f32 v8, v2  }
0xa7: {  	v16 =	vld [tilespmem:s2+$0x13080];
	v11 =	vsub.f32 v11, v14;
	v2 =	vmul.f32 v9, v2;
	v1 =	vmul.f32 v9, v1  }
0xa8: {  	v10 =	vadd.f32 v13, v10;
	v9 =	vld.idx.msk [tilespmem:v0+s2+$0x180 ss:$0x1], $0xffff;
	v13 =	vmul.f32 v6, v3;
	v6 =	vmul.f32 v6, v4  }
0xa9: {  	v14 =	vld.idx.msk [tilespmem:v0+s2+$0x1C0 ss:$0x1], $0xffff;
	v12 =	vsub.f32 v12, v2;
	v4 =	vmul.f32 v7, v4;
	v3 =	vmul.f32 v7, v3  }
0xaa: {  	v8 =	vadd.f32 v1, v8;
	v7 =	vld [tilespmem:s2+$0x19480];
	[tilespmem:v0+s28+$0x30 ss:$0x1] =	vst.idx.msk $0xffff, v11  }
0xab: {  	v11 =	vld.idx.msk [tilespmem:v0+s2+$0x0 ss:$0x1], $0xffff;
	[tilespmem:v0+s28+$0x70 ss:$0x1] =	vst.idx.msk $0xffff, v10;
	v4 =	vsub.f32 v13, v4;
	v3 =	vadd.f32 v3, v6  }
0xac: {  	v2 =	vmov v15;
	v1 =	vmov v5;
	v6 =	vld.idx.msk [tilespmem:v0+s2+$0x40 ss:$0x1], $0xffff;
	[tilespmem:v0+s26+$0xB0 ss:$0x1] =	vst.idx.msk $0xffff, v12  }
0xad: {  	v5 =	vld.idx.msk [tilespmem:v0+s2+$0x80 ss:$0x1], $0xffff;
	[tilespmem:v0+s26+$0xF0 ss:$0x1] =	vst.idx.msk $0xffff, v8  }
0xae: {  	v8 =	vld.idx.msk [tilespmem:v0+s2+$0xC0 ss:$0x1], $0xffff;
	[tilespmem:v0+s26+$0x130 ss:$0x1] =	vst.idx.msk $0xffff, v4  }
0xaf: {  	v4 =	vmul.f32 v16, v9;
	v10 =	vld.idx.msk [tilespmem:v0+s2+$0x100 ss:$0x1], $0xffff;
	v12 =	vmul.f32 v7, v14;
	[tilespmem:v0+s26+$0x170 ss:$0x1] =	vst.idx.msk $0xffff, v3;
	s26 =	smov.u32 s28;
	s28 =	smov.u32 s2  }
0xb0: {  	v3 =	vmul.f32 v16, v14;
	v7 =	vmul.f32 v7, v9;
	v13 =	vld.idx.msk [tilespmem:v0+s28+$0x140 ss:$0x1], $0xffff  }
0xb1: {  	s30 =	sadd.s32 $0x4, s30;
	v9 =	vld [tilespmem:s28+$0x12F00];
	v4 =	vsub.f32 v4, v12  }
0xb2: {  	p0 =	slt.u32 s30, $0xC4;
	v3 =	vadd.f32 v7, v3;
	v12 =	vld [tilespmem:s28+$0x19300]  }
0xb3: {  	v7 =	vld [tilespmem:s28+$0x12F80];
	[tilespmem:v0+s28+$0x180 ss:$0x1] =	vst.idx.msk $0xffff, v4  }
0xb4: {  	v4 =	vld [tilespmem:s28+$0x19380];
	[tilespmem:v0+s28+$0x1C0 ss:$0x1] =	vst.idx.msk $0xffff, v3  }
0xb5: {  	v14 =	vld [tilespmem:s28+$0x13090]  }
0xb6: {  	v3 =	vmul.f32 v9, v11;
	v9 =	vmul.f32 v9, v6;
	v15 =	vld.idx.msk [tilespmem:v0+s28+$0x190 ss:$0x1], $0xffff  }
0xb7: {  	v6 =	vmul.f32 v12, v6;
	v11 =	vmul.f32 v12, v11;
	v12 =	vld.idx.msk [tilespmem:v0+s28+$0x1D0 ss:$0x1], $0xffff  }
0xb8: {  	v16 =	vmul.f32 v7, v5;
	v7 =	vmul.f32 v7, v8;
	v17 =	vld [tilespmem:s28+$0x19490]  }
0xb9: {  	v3 =	vsub.f32 v3, v6;
	v6 =	vmul.f32 v4, v8;
	v4 =	vmul.f32 v4, v5;
	v5 =	vld [tilespmem:s28+$0x13000]  }
0xba: {  	v8 =	vadd.f32 v11, v9;
	v9 =	vld [tilespmem:s28+$0x19400]  }
0xbb: {  	[tilespmem:v0+s28+$0x0 ss:$0x1] =	vst.idx.msk $0xffff, v3;
	v6 =	vsub.f32 v16, v6;
	v7 =	vadd.f32 v4, v7;
	v3 =	vld.idx.msk [tilespmem:v0+s26+$0x130 ss:$0x1], $0xffff  }
0xbc: {  	[tilespmem:v0+s28+$0x40 ss:$0x1] =	vst.idx.msk $0xffff, v8;
	v4 =	vld.idx.msk [tilespmem:v0+s26+$0x170 ss:$0x1], $0xffff  }
0xbd: {  	v8 =	vld.idx.msk [tilespmem:v0+s28+$0x10 ss:$0x1], $0xffff;
	[tilespmem:v0+s28+$0x80 ss:$0x1] =	vst.idx.msk $0xffff, v6;
	v6 =	vmul.f32 v14, v15;
	v11 =	vmul.f32 v17, v12  }
0xbe: {  	v16 =	vld.idx.msk [tilespmem:v0+s28+$0x50 ss:$0x1], $0xffff;
	[tilespmem:v0+s28+$0xC0 ss:$0x1] =	vst.idx.msk $0xffff, v7;
	v7 =	vmul.f32 v14, v12;
	v12 =	vmul.f32 v17, v15  }
0xbf: {  	v15 =	vmul.f32 v5, v10;
	v14 =	vld.idx.msk [tilespmem:v0+s28+$0x90 ss:$0x1], $0xffff;
	v17 =	vmul.f32 v9, v13;
	v6 =	vsub.f32 v6, v11  }
0xc0: {  	v5 =	vmul.f32 v5, v13;
	v9 =	vmul.f32 v9, v10;
	v11 =	vld.idx.msk [tilespmem:v0+s28+$0xD0 ss:$0x1], $0xffff;
	v7 =	vadd.f32 v12, v7  }
0xc1: {  	v10 =	vld [tilespmem:s28+$0x12F10];
	v12 =	vsub.f32 v15, v17;
	[tilespmem:v0+s28+$0x190 ss:$0x1] =	vst.idx.msk $0xffff, v6  }
0xc2: {  	v5 =	vadd.f32 v9, v5;
	v6 =	vld [tilespmem:s28+$0x19310];
	[tilespmem:v0+s28+$0x1D0 ss:$0x1] =	vst.idx.msk $0xffff, v7  }
0xc3: {  	[tilespmem:v0+s28+$0x100 ss:$0x1] =	vst.idx.msk $0xffff, v12;
	v7 =	vld [tilespmem:s28+$0x130A0]  }
0xc4: {  	[tilespmem:v0+s28+$0x140 ss:$0x1] =	vst.idx.msk $0xffff, v5;
	v5 =	vld.idx.msk [tilespmem:v0+s28+$0x1A0 ss:$0x1], $0xffff  }
0xc5: {  	v9 =	vld.idx.msk [tilespmem:v0+s28+$0x1E0 ss:$0x1], $0xffff  }
0xc6: {  	v12 =	vmul.f32 v10, v8;
	v10 =	vmul.f32 v10, v16;
	v13 =	vld [tilespmem:s28+$0x194A0]  }
0xc7: {  	v15 =	vmul.f32 v6, v16;
	v6 =	vmul.f32 v6, v8;
	v8 =	vld.idx.msk [tilespmem:v0+s28+$0x110 ss:$0x1], $0xffff  }
0xc8: {  	v16 =	vld.idx.msk [tilespmem:v0+s28+$0x150 ss:$0x1], $0xffff  }
0xc9: {  	v12 =	vsub.f32 v12, v15;
	v6 =	vadd.f32 v6, v10;
	v10 =	vld [tilespmem:s28+$0x12F90]  }
0xca: {  	v15 =	vld [tilespmem:s28+$0x19390]  }
0xcb: {  	v17 =	vmul.f32 v7, v5;
	[tilespmem:v0+s28+$0x10 ss:$0x1] =	vst.idx.msk $0xffff, v12;
	v12 =	vld [tilespmem:s28+$0x13010];
	v18 =	vmul.f32 v13, v9  }
0xcc: {  	v7 =	vmul.f32 v7, v9;
	v5 =	vmul.f32 v13, v5;
	[tilespmem:v0+s28+$0x50 ss:$0x1] =	vst.idx.msk $0xffff, v6;
	v6 =	vld [tilespmem:s28+$0x19410]  }
0xcd: {  	v9 =	vld.idx.msk [tilespmem:v0+s28+$0x20 ss:$0x1], $0xffff;
	v13 =	vsub.f32 v17, v18  }
0xce: {  	v5 =	vadd.f32 v5, v7;
	v17 =	vld.idx.msk [tilespmem:v0+s28+$0x60 ss:$0x1], $0xffff;
	v18 =	vmul.f32 v10, v14;
	v10 =	vmul.f32 v10, v11  }
0xcf: {  	v7 =	vld [tilespmem:s28+$0x12F20];
	v11 =	vmul.f32 v15, v11;
	v14 =	vmul.f32 v15, v14;
	[tilespmem:v0+s28+$0x1A0 ss:$0x1] =	vst.idx.msk $0xffff, v13  }
0xd0: {  	v13 =	vld [tilespmem:s28+$0x19320];
	v15 =	vmul.f32 v12, v8;
	v12 =	vmul.f32 v12, v16;
	[tilespmem:v0+s28+$0x1E0 ss:$0x1] =	vst.idx.msk $0xffff, v5  }
0xd1: {  	v5 =	vsub.f32 v18, v11;
	v11 =	vmul.f32 v6, v16;
	v6 =	vmul.f32 v6, v8;
	v8 =	vld [tilespmem:s28+$0x130B0]  }
0xd2: {  	v10 =	vadd.f32 v14, v10;
	v14 =	vld.idx.msk [tilespmem:v0+s28+$0x1B0 ss:$0x1], $0xffff  }
0xd3: {  	[tilespmem:v0+s28+$0x90 ss:$0x1] =	vst.idx.msk $0xffff, v5;
	v5 =	vsub.f32 v15, v11;
	v6 =	vadd.f32 v6, v12;
	v11 =	vld.idx.msk [tilespmem:v0+s28+$0x1F0 ss:$0x1], $0xffff  }
0xd4: {  	v12 =	vmul.f32 v7, v9;
	v7 =	vmul.f32 v7, v17;
	[tilespmem:v0+s28+$0xD0 ss:$0x1] =	vst.idx.msk $0xffff, v10;
	v10 =	vld [tilespmem:s28+$0x194B0]  }
0xd5: {  	v15 =	vmul.f32 v13, v17;
	v9 =	vmul.f32 v13, v9;
	v13 =	vld.idx.msk [tilespmem:v0+s28+$0xA0 ss:$0x1], $0xffff;
	[tilespmem:v0+s28+$0x110 ss:$0x1] =	vst.idx.msk $0xffff, v5  }
0xd6: {  	v5 =	vld.idx.msk [tilespmem:v0+s28+$0xE0 ss:$0x1], $0xffff;
	[tilespmem:v0+s28+$0x150 ss:$0x1] =	vst.idx.msk $0xffff, v6  }
0xd7: {  	v6 =	vsub.f32 v12, v15;
	v7 =	vadd.f32 v9, v7;
	v9 =	vld.idx.msk [tilespmem:v0+s28+$0x120 ss:$0x1], $0xffff  }
0xd8: {  	v15 =	vmul.f32 v8, v14;
	v12 =	vld.idx.msk [tilespmem:v0+s28+$0x160 ss:$0x1], $0xffff  }
0xd9: {  	v8 =	vmul.f32 v8, v11;
	[tilespmem:v0+s28+$0x20 ss:$0x1] =	vst.idx.msk $0xffff, v6;
	v6 =	vld [tilespmem:s28+$0x12FA0];
	v14 =	vmul.f32 v10, v14  }
0xda: {  	v10 =	vmul.f32 v10, v11;
	[tilespmem:v0+s28+$0x60 ss:$0x1] =	vst.idx.msk $0xffff, v7;
	v7 =	vld [tilespmem:s28+$0x193A0]  }
0xdb: {  	v11 =	vld [tilespmem:s28+$0x13020];
	v8 =	vadd.f32 v14, v8  }
0xdc: {  	v10 =	vsub.f32 v15, v10;
	v14 =	vld [tilespmem:s28+$0x19420]  }
0xdd: {  	v15 =	vld.idx.msk [tilespmem:v0+s28+$0x30 ss:$0x1], $0xffff;
	[tilespmem:v0+s28+$0x1F0 ss:$0x1] =	vst.idx.msk $0xffff, v8  }
0xde: {  	v16 =	vld.idx.msk [tilespmem:v0+s28+$0x70 ss:$0x1], $0xffff;
	v8 =	vmul.f32 v6, v13;
	v6 =	vmul.f32 v6, v5;
	[tilespmem:v0+s28+$0x1B0 ss:$0x1] =	vst.idx.msk $0xffff, v10  }
0xdf: {  	v10 =	vld [tilespmem:s28+$0x12F30];
	v5 =	vmul.f32 v7, v5;
	v7 =	vmul.f32 v7, v13  }
0xe0: {  	v13 =	vld [tilespmem:s28+$0x19330];
	v17 =	vmul.f32 v11, v9;
	v11 =	vmul.f32 v11, v12  }
.Ltmp0:
0xe1: {  	v5 =	vsub.f32 v8, v5;
	v12 =	vmul.f32 v14, v12;
	v14 =	vmul.f32 v14, v9;
	v8 =	vld [tilespmem:s26+$0x12FB0];
	(pc) =	sbr.rel @p0 .LBB2_3-.Ltmp0, $4  }
0xe2: {  	v7 =	vadd.f32 v7, v6;
	v9 =	vld [tilespmem:s26+$0x193B0]  }
0xe3: {  	[tilespmem:v0+s28+$0xA0 ss:$0x1] =	vst.idx.msk $0xffff, v5;
	v17 =	vsub.f32 v17, v12;
	v12 =	vadd.f32 v14, v11;
	v6 =	vld [tilespmem:s26+$0x13030]  }
0xe4: {  	v11 =	vmul.f32 v10, v15;
	v10 =	vmul.f32 v10, v16;
	[tilespmem:v0+s28+$0xE0 ss:$0x1] =	vst.idx.msk $0xffff, v7;
	v7 =	vld [tilespmem:s26+$0x19430]  }
0xe5: {  	s31 =	sadd.s32 $0x800, s31;
	v14 =	vmul.f32 v13, v16;
	v13 =	vmul.f32 v13, v15;
	v5 =	vld.idx.msk [tilespmem:v0+s28+$0xB0 ss:$0x1], $0xffff;
	[tilespmem:v0+s28+$0x120 ss:$0x1] =	vst.idx.msk $0xffff, v17  }
0xe6: {  	_ =	sdelay $0x3  }
0xe7: {  	v15 =	vld.idx.msk [tilespmem:v0+s28+$0xF0 ss:$0x1], $0xffff  }
0xe8: {  	v47 =	vld [tilespmem:s28+$0x12FB0]  }
0xe9: {  	[tilespmem:v0+s28+$0x160 ss:$0x1] =	vst.idx.msk $0xffff, v12;
	v50 =	vld [tilespmem:s28+$0x193B0]  }
0xea: {  	v16 =	vmul.f32 v8, v1;
	v12 =	vld.idx.msk [tilespmem:v0+s28+$0x130 ss:$0x1], $0xffff  }
0xeb: {  	v44 =	vmul.f32 v8, v2;
	v17 =	vmul.f32 v9, v2;
	v18 =	vld.idx.msk [tilespmem:v0+s28+$0x170 ss:$0x1], $0xffff  }
0xec: {  	v45 =	vsub.f32 v11, v14;
	v46 =	vmul.f32 v9, v1;
	v53 =	vld [tilespmem:s28+$0x13030];
	v48 =	vmul.f32 v6, v3  }
0xed: {  	v10 =	vadd.f32 v13, v10;
	v55 =	vld [tilespmem:s28+$0x19430];
	v51 =	vmul.f32 v6, v4;
	v52 =	vmul.f32 v7, v4  }
0xee: {  	v49 =	vsub.f32 v16, v17;
	[tilespmem:v0+s28+$0x30 ss:$0x1] =	vst.idx.msk $0xffff, v45;
	v54 =	vmul.f32 v7, v3  }
0xef: {  	v1 =	vadd.f32 v46, v44;
	[tilespmem:v0+s28+$0x70 ss:$0x1] =	vst.idx.msk $0xffff, v10;
	v4 =	vsub.f32 v48, v52  }
0xf0: {  	[tilespmem:v0+s26+$0xB0 ss:$0x1] =	vst.idx.msk $0xffff, v49;
	v56 =	vmul.f32 v47, v5;
	v57 =	vmul.f32 v50, v15  }
0xf1: {  	v3 =	vadd.f32 v54, v51;
	v58 =	vmul.f32 v47, v15;
	v59 =	vmul.f32 v50, v5  }
0xf2: {  	p0 =	sgt.u32 s24, $0x1D;
	[tilespmem:v0+s26+$0xF0 ss:$0x1] =	vst.idx.msk $0xffff, v1;
	v60 =	vmul.f32 v53, v12;
	v61 =	vmul.f32 v55, v18  }
0xf3: {  	s2 =	sadd.s32 @!p0 $0x2, s24;
	v62 =	vmul.f32 v53, v18;
	[tilespmem:v0+s26+$0x130 ss:$0x1] =	vst.idx.msk $0xffff, v4;
	v1 =	vsub.f32 v56, v57  }
0xf4: {  	v2 =	vmul.f32 v55, v12;
	[tilespmem:v0+s26+$0x170 ss:$0x1] =	vst.idx.msk $0xffff, v3;
	v3 =	vadd.f32 v59, v58;
	s26 =	sand.u32 @!p0 $0xFF, s2  }
0xf5: {  	s30 =	sadd.s32 s5, s24;
	v4 =	vsub.f32 v60, v61;
	[tilespmem:v0+s28+$0xB0 ss:$0x1] =	vst.idx.msk $0xffff, v1;
	s26 =	smul.u32 @!p0 $0xAB, s26  }
0xf6: {  	s30 =	smul.u32 $0xC80, s30;
	v63 =	vadd.f32 v2, v62;
	[tilespmem:v0+s28+$0xF0 ss:$0x1] =	vst.idx.msk $0xffff, v3  }
0xf7: {  	[tilespmem:v0+s28+$0x130 ss:$0x1] =	vst.idx.msk $0xffff, v4;
	s26 =	sshrl.u32 @!p0 s26, $0x9  }
0xf8: {  	s25 =	sadd.s32 $0x4, s25;
	s31 =	sadd.s32 s3, s30;
	[tilespmem:v0+s28+$0x170 ss:$0x1] =	vst.idx.msk $0xffff, v63;
	s26 =	smul.u32 @!p0 $0x3, s26  }
0xf9: {  	[hbm4b:s31+s4] =	stream.linear.scatter [tilespmem:s29], [sflag:s25], $0x6400, $0x38;
	[tilespmem:$0x1F700] =	vst v63  }
0xfa: {  	p1 =	seq.s32 @!p0 s24, $0x0;
	s2 =	ssub.s32 @!p0 s2, s26  }
0xfb: {  	p1 =	por p1, p0;
	s2 =	sand.u32 @!p0 $0xFF, s2  }
0xfc: {  	s25 =	sadd.s32 @!p1 $0x4, s2  }
0xfd: {  	_ =	swait.ge @!p1 [sflag:s25], $0x6400  }
0xfe: {  	[sflag:s25] =	ssyncset.done @!p1 $0x0  }
0xff: {  	s26 =	smul.u32 @!p0 $0x19000, s2;
	[sflag:s25] =	ssyncadd.s32 @!p1 $0xFFFF9C00;
	s25 =	sadd.s32 @!p1 $0x7, s2  }
0x100: {  	s29 =	simm.s32 @!p0 $0x64;
	_ =	swait.ge @!p1 [sflag:s25], $0x100  }
0x101: {  	s28 =	sshll.u32 @!p0 s2, $0x8;
	s26 =	sshrl.u32 @!p0 s26, $0x2;
	[sflag:s25] =	ssyncset.done @!p1 $0x0  }
0x102: {  	s2 =	sadd.s32 @!p0 $0x1, s2;
	[sflag:s25] =	ssyncadd.s32 @!p1 $0xFFFFFF00;
	s25 =	sor.u32 @!p0 $0x300, s26  }
0x103: {  	[tilespmem:s25], [sflag:s2] =	stream.indirect.gather @!p0 [hbm4b:s1+s29], $0x80, s28, s29, $0xb8;
	[tilespmem:$0x1F700] =	vst v63  }
0x104: {  	s24 =	sadd.s32 $0x1, s24;
	s25 =	sadd.s32 @!p0 $0x3500, s26;
	s26 =	sor.u32 @!p0 $0x80, s28  }
0x105: {  	[tilespmem:s25], [sflag:s2] =	stream.indirect.gather @!p0 [hbm4b:s1+s29], $0x80, s26, s29, $0xb8;
	[tilespmem:$0x1F700] =	vst v63  }
0x106: {  	p0 =	sne.s32 s24, $0x20  }
.Ltmp1:
0x107: {  	_ = 	snop;
	(pc) =	sbr.rel @p0 .LBB2_2-.Ltmp1, $2  }
0x108: {  	_ =	sdelay $0x2  }
0x109: {  	s23 =	sadd.s32 $0x6400, s23  }
0x10a: {  	_ =	swait.ge [sflag:s19], $0x6400  }
0x10b: {  	[sflag:s19] =	ssyncset.done $0x0  }
0x10c: {  	s22 =	sadd.s32 $0x1, s22;
	[sflag:s19] =	ssyncadd.s32 $0xFFFF9C00  }
0x10d: {  	p0 =	sne.s32 s22, s9;
	_ =	swait.ge [sflag:s20], $0x6400  }
.Ltmp2:
0x10e: {  	[sflag:s20] =	ssyncset.done $0x0;
	(pc) =	sbr.rel @p0 .LBB2_1-.Ltmp2, $4  }
0x10f: {  	[sflag:s20] =	ssyncadd.s32 $0xFFFF9C00  }
0x110: {  	_ =	swait.ge [sflag:s21], $0x6400  }
0x111: {  	[sflag:s21] =	ssyncset.done $0x0  }
0x112: {  	[sflag:s21] =	ssyncadd.s32 $0xFFFF9C00  }
0x113: {  	_ =	sfence.sel $0x180000  }
0x114: {  	[bflag:$0x0] =	sbarrier.arrive $0xFFFF  }
0x115: {  	_ =	strace $0x90000047  }
0x116: {  	[bflag:$0x2] =	sbarrier.arrive $0xFFFF  }
0x117: {  	p0 =	sne.s32 s0, $0x0;
	s0 =	rddreg [dreg:$0x3]  }
0x118: {  	s0 =	sadd.s32 @!p0 $0x100000, s0  }
0x119: {  	[sflag:s0] =	ssyncadd.tile.s32 @!p0 $0x1;
	_ =	shalt  }
.Lfunc_end2:
_tile_overlayer_lowered:
.L_overlay_start_2:
0x11a: {  	(tag) =	ssettag $0x2  }
0x11b: {  	s0 =	rddreg [dreg:$0x0];
	s2 =	stileid.u32  }
0x11c: {  	s1 =	rddreg [dreg:$0x1];
	p0 =	sne.s32 s2, $0x0  }
0x11d: {  	s3 =	rddreg [dreg:$0x2];
	[bflag:$0x3] =	sbarrier.arrive $0xFFFF;
	s2 =	simm.s32 @!p0 $0x1C0A  }
0x11e: {  	[timem:s3], [sflag:s2] =	dma.local @!p0 [hbm:s0], s1  }
0x11f: {  	s0 =	simm.s32 @!p0 $0xA  }
0x120: {  	_ =	swait.ge @!p0 [sflag:s0], s1  }
0x121: {  	s1 =	ssub.s32 @!p0 $0x0, s1;
	[sflag:s0] =	ssyncset.done @!p0 $0x0  }
0x122: {  	[sflag:s0] =	ssyncadd.s32 @!p0 s1  }
0x123: {  	[bflag:$0x3] =	sbarrier.arrive $0xFFFF  }
0x124: {  	_ =	shalt  }

</sc_bundles>
